<compile_context>
chip_gen: v7x
topology: tpu7x:2x2x1
jax: 0.10.2.dev20260603
libtpu: 0.0.44.dev20260713+nightly
codegen_flags: <defaults>
</compile_context>

<pallas_src>
import functools

import jax
import jax.numpy as jnp
from jax import lax
from jax.experimental import pallas as pl
from jax.experimental.pallas import tpu as pltpu
from jax.experimental.pallas import tpu_sc as plsc

N = 10000
N_PAD = 10240
E = 320000
CHUNK = 128
NT = 32
CPT = 80
SPARE_ROWS = 128
E2D_ROWS = NT * CPT + SPARE_ROWS
E_PAD = E2D_ROWS * CHUNK
D_IN = 128
D_H = 128
D_OUT = 64
ROWS_PT = N_PAD // 16

_mesh = lambda: plsc.VectorSubcoreMesh(
    core_axis_name="c", subcore_axis_name="s", num_cores=2, num_subcores=16
)


def _deg_kernel(dst_hbm, out_hbm, idx_v, ones_v, deg_sh):
    c = lax.axis_index("c")
    s = lax.axis_index("s")
    wid = c * 16 + s

    pltpu.sync_copy(dst_hbm.at[pl.ds(wid * CPT, CPT)], idx_v)

    @pl.loop(0, CHUNK // 16)
    def _(i):
        ones_v[pl.ds(i * 16, 16)] = jnp.zeros((16,), jnp.float32)

    @pl.loop(0, ROWS_PT // CHUNK)
    def _(i):
        pltpu.sync_copy(ones_v, deg_sh.at[pl.ds(s * ROWS_PT + i * CHUNK, CHUNK)])

    @pl.loop(0, CHUNK // 16)
    def _(i):
        ones_v[pl.ds(i * 16, 16)] = jnp.full((16,), 1.0, jnp.float32)

    plsc.subcore_barrier()

    @pl.loop(0, CPT)
    def _(j):
        pltpu.sync_copy(ones_v, deg_sh.at[idx_v.at[j]], add=True)

    plsc.subcore_barrier()
    pltpu.sync_copy(
        deg_sh.at[pl.ds(s * ROWS_PT, ROWS_PT)],
        out_hbm.at[c, pl.ds(s * ROWS_PT, ROWS_PT)],
    )


def _make_deg():
    return pl.kernel(
        _deg_kernel,
        out_type=jax.ShapeDtypeStruct((2, N_PAD), jnp.float32),
        mesh=_mesh(),
        scratch_types=[
            pltpu.VMEM((CPT, CHUNK), jnp.int32),
            pltpu.VMEM((CHUNK,), jnp.float32),
            pltpu.VMEM_SHARED((N_PAD,), jnp.float32),
        ],
    )


DW = 64


def _scatter_kernel(D, cpt0, yw_hbm, src_hbm, dst_hbm, out_hbm, src_v, dst_v, msg_v, acc_sh):
    c = lax.axis_index("c")
    s = lax.axis_index("s")
    cpt1 = 2 * CPT - cpt0
    cpt_max = max(cpt0, cpt1)
    cnt = jnp.where(c == 0, cpt0, cpt1)
    base = jnp.where(c == 0, s * cpt0, 16 * cpt0 + s * cpt1)

    pltpu.sync_copy(src_hbm.at[pl.ds(base, cpt_max)], src_v)
    pltpu.sync_copy(dst_hbm.at[pl.ds(base, cpt_max)], dst_v)

    @pl.loop(0, CHUNK)
    def _(r):
        @pl.loop(0, D // 16)
        def _(q):
            msg_v[r, pl.ds(q * 16, 16)] = jnp.zeros((16,), jnp.float32)

    @pl.loop(0, ROWS_PT // CHUNK)
    def _(i):
        pltpu.sync_copy(msg_v, acc_sh.at[pl.ds(s * ROWS_PT + i * CHUNK, CHUNK)])

    plsc.subcore_barrier()

    @pl.loop(0, cpt_max)
    def _(j):
        @pl.when(j < cnt)
        def _():
            pltpu.sync_copy(yw_hbm.at[src_v.at[j]], msg_v)
            pltpu.sync_copy(msg_v, acc_sh.at[dst_v.at[j]], add=True)

    plsc.subcore_barrier()
    pltpu.sync_copy(
        acc_sh.at[pl.ds(s * ROWS_PT, ROWS_PT)],
        out_hbm.at[c, pl.ds(s * ROWS_PT, ROWS_PT)],
    )


def _make_scatter(D, cpt0):
    cpt_max = max(cpt0, 2 * CPT - cpt0)
    return pl.kernel(
        functools.partial(_scatter_kernel, D, cpt0),
        out_type=jax.ShapeDtypeStruct((2, N_PAD, D), jnp.float32),
        mesh=_mesh(),
        scratch_types=[
            pltpu.VMEM((cpt_max, CHUNK), jnp.int32),
            pltpu.VMEM((cpt_max, CHUNK), jnp.int32),
            pltpu.VMEM((CHUNK, D), jnp.float32),
            pltpu.VMEM_SHARED((N_PAD, D), jnp.float32),
        ],
    )


_BM = 2048


def _dinv_of(dp_ref):
    deg = dp_ref[0, :] + dp_ref[1, :] + 1.0
    return lax.rsqrt(deg)


def _k1_body(x_ref, w_ref, dp_ref, o_ref):
    dinv = _dinv_of(dp_ref)
    xw = jnp.dot(x_ref[...], w_ref[...], preferred_element_type=jnp.float32)
    o_ref[...] = xw * dinv[:, None]


def _k2_body(sp_ref, yw_ref, dp_ref, w_ref, b_ref, o_ref):
    dinv = _dinv_of(dp_ref)
    stot = sp_ref[0] + sp_ref[1] + yw_ref[...]
    h = jnp.maximum(stot * dinv[:, None] + b_ref[...], 0.0)
    o_ref[...] = jnp.dot(h, w_ref[...], preferred_element_type=jnp.float32) * dinv[:, None]


def _k3_body(sp_ref, yw_ref, dp_ref, b_ref, o_ref):
    dinv = _dinv_of(dp_ref)
    stot = sp_ref[0] + sp_ref[1] + yw_ref[...]
    o_ref[...] = (stot * dinv[:, None])[:, :D_OUT] + b_ref[...]


def _row_spec(d):
    return pl.BlockSpec((_BM, d), lambda i: (i, 0))


def _parts_spec(d):
    return pl.BlockSpec((2, _BM, d), lambda i: (0, i, 0))


_DP_SPEC = pl.BlockSpec((2, _BM), lambda i: (0, i))
_GRID = (N_PAD // _BM,)


def _k1(x_pad, W1, deg_parts):
    return pl.pallas_call(
        _k1_body,
        grid=_GRID,
        in_specs=[
            _row_spec(D_IN),
            pl.BlockSpec((D_IN, D_H), lambda i: (0, 0)),
            _DP_SPEC,
        ],
        out_specs=_row_spec(D_H),
        out_shape=jax.ShapeDtypeStruct((N_PAD, D_H), jnp.float32),
    )(x_pad, W1, deg_parts)


def _k2(s1_parts, yw1, deg_parts, W2, b1_2d):
    return pl.pallas_call(
        _k2_body,
        grid=_GRID,
        in_specs=[
            _parts_spec(D_H),
            _row_spec(D_H),
            _DP_SPEC,
            pl.BlockSpec((D_H, D_H), lambda i: (0, 0)),
            pl.BlockSpec((1, D_H), lambda i: (0, 0)),
        ],
        out_specs=_row_spec(D_H),
        out_shape=jax.ShapeDtypeStruct((N_PAD, D_H), jnp.float32),
    )(s1_parts, yw1, deg_parts, W2, b1_2d)


def _k3(s2_parts, yw2, deg_parts, b2_2d):
    return pl.pallas_call(
        _k3_body,
        grid=_GRID,
        in_specs=[
            _parts_spec(D_H),
            _row_spec(D_H),
            _DP_SPEC,
            pl.BlockSpec((1, D_OUT), lambda i: (0, 0)),
        ],
        out_specs=_row_spec(D_OUT),
        out_shape=jax.ShapeDtypeStruct((N_PAD, D_OUT), jnp.float32),
    )(s2_parts, yw2, deg_parts, b2_2d)


@jax.jit
def _run(x, edge_index, W1, b1, W2, b2):
    x_pad = jnp.pad(x, ((0, N_PAD - N), (0, 0)))
    ei = edge_index.astype(jnp.int32)
    pad_idx = jnp.full((E_PAD - E,), N_PAD - 1, jnp.int32)
    src2d = jnp.concatenate([ei[0], pad_idx]).reshape(E2D_ROWS, CHUNK)
    dst2d = jnp.concatenate([ei[1], pad_idx]).reshape(E2D_ROWS, CHUNK)

    deg_parts = _make_deg()(dst2d)
    yw1 = _k1(x_pad, W1, deg_parts)
    s1_parts = _make_scatter(D_H, 128)(yw1, src2d, dst2d)
    W2p = jnp.pad(W2, ((0, 0), (0, D_H - D_OUT)))
    yw2 = _k2(s1_parts, yw1, deg_parts, W2p, b1.reshape(1, D_H))
    s2_parts = _make_scatter(D_H, 128)(yw2, src2d, dst2d)
    out = _k3(s2_parts, yw2, deg_parts, b2.reshape(1, D_OUT))
    return out[:N]


def kernel(x, edge_index, W1, b1, W2, b2):
    return _run(x, edge_index, W1, b1, W2, b2)

# --- scband reference (transcript-rebuilt; emitter-appended) ---
"""Pipeline reference for scband-gcn-41626823032945 (READ-ONLY COPY).

The authoritative reference and input builder live on the scoring server;
editing this copy changes nothing except your own understanding.
"""

import jax, jax.numpy as jnp
import numpy as np

N_NODES = 10000
N_EDGES = 320000
D_IN = 128
D_H = 128
D_OUT = 64


def setup_inputs(seed: int = 0) -> dict:
    key = jax.random.key(seed)
    k1, k2, k3, k4, k5, k6 = jax.random.split(key, 6)
    x = jax.random.normal(k1, (N_NODES, D_IN), dtype=jnp.float32)
    edge_index = jax.random.randint(k2, (2, N_EDGES), 0, N_NODES, dtype=jnp.int64)
    # Glorot-style init for GCNConv weights, zeros for bias (PyG default)
    s1 = (6.0 / (D_IN + D_H)) ** 0.5
    W1 = jax.random.uniform(k3, (D_IN, D_H), dtype=jnp.float32, minval=-s1, maxval=s1)
    b1 = jnp.zeros((D_H,), dtype=jnp.float32)
    s2 = (6.0 / (D_H + D_OUT)) ** 0.5
    W2 = jax.random.uniform(k4, (D_H, D_OUT), dtype=jnp.float32, minval=-s2, maxval=s2)
    b2 = jnp.zeros((D_OUT,), dtype=jnp.float32)
    return {"x": x, "edge_index": edge_index, "W1": W1, "b1": b1, "W2": W2, "b2": b2}


def _gcn_conv(x, src, dst, W, b):
    n = x.shape[0]
    # add self-loops (PyG GCNConv default add_self_loops=True)
    loop = jnp.arange(n, dtype=src.dtype)
    src_sl = jnp.concatenate([src, loop])
    dst_sl = jnp.concatenate([dst, loop])
    # linear transform first (PyG applies lin before propagate)
    xw = x @ W
    # symmetric normalization deg^{-1/2}[src] * deg^{-1/2}[dst]
    deg = jnp.zeros((n,), dtype=xw.dtype).at[dst_sl].add(1.0)
    dinv = jnp.where(deg > 0, deg ** -0.5, 0.0)
    norm = dinv[src_sl] * dinv[dst_sl]
    msg = xw[src_sl] * norm[:, None]
    out = jnp.zeros((n, xw.shape[1]), dtype=xw.dtype).at[dst_sl].add(msg)
    return out + b


def reference(x, edge_index, W1, b1, W2, b2):
    src = edge_index[0]
    dst = edge_index[1]
    h = _gcn_conv(x, src, dst, W1, b1)
    h = jax.nn.relu(h)
    out = _gcn_conv(h, src, dst, W2, b2)
    return out

if __name__ == "__main__":
    import jax
    _d = setup_inputs()
    print(jax.jit(kernel)(*tuple(_d.values())))

</pallas_src>

<mosaic_0001>
#map = affine_map<(d0, d1) -> (0, 0)>
#map1 = affine_map<(d0, d1) -> (0, 0, 0)>
module attributes {stable_mosaic.version = 14 : i64} {
  func.func @_scatter_kernel(%arg0: i32, %arg1: i32, %arg2: memref<10240x128xf32, #tpu.memory_space<hbm>>, %arg3: memref<2688x128xi32, #tpu.memory_space<hbm>>, %arg4: memref<2688x128xi32, #tpu.memory_space<hbm>>, %arg5: memref<2x10240x128xf32, #tpu.memory_space<hbm>>, %arg6: memref<128x128xi32, #tpu.memory_space<vmem>>, %arg7: memref<128x128xi32, #tpu.memory_space<vmem>>, %arg8: memref<128x128xf32, #tpu.memory_space<vmem>>, %arg9: memref<10240x128xf32, #tpu.memory_space<vmem_shared>>) attributes {dimension_semantics = [#tpu.dimension_semantics<core_parallel>, #tpu.dimension_semantics<subcore_parallel>], iteration_bounds = array<i64: 2, 16>, scalar_prefetch = 0 : i64, scratch_operands = 4 : i64, tpu.core_type = #tpu.core_type<sc_vector_subcore>, window_params = [{transform_indices = #map}, {transform_indices = #map}, {transform_indices = #map}, {transform_indices = #map1}]} {
    %eq3A = arith.constant 0 : i32
    %eq3A_0 = arith.cmpi eq, %arg0, %eq3A : i32
    %jit3A = arith.constant 128 : i32
    %jit3A_1 = arith.constant 32 : i32
    %select_n3A = arith.select %eq3A_0, %jit3A, %jit3A_1 : i32
    %eq3A_2 = arith.constant 0 : i32
    %eq3A_3 = arith.cmpi eq, %arg0, %eq3A_2 : i32
    %mul3A = arith.constant 128 : i32
    %mul3A_4 = arith.muli %arg1, %mul3A : i32
    %mul3A_5 = arith.constant 32 : i32
    %mul3A_6 = arith.muli %arg1, %mul3A_5 : i32
    %add3A = arith.constant 2048 : i32
    %add3A_7 = arith.addi %add3A, %mul3A_6 : i32
    %select_n3A_8 = arith.select %eq3A_3, %mul3A_4, %add3A_7 : i32
    "tpu.region"() ({
      %run_scoped3A = tpu.sem_alloc : memref<!tpu.dma_semaphore, #tpu.memory_space<semaphore_mem>>
      %dma_start3A = arith.constant 0 : i32
      %dma_start3A_28 = tpu.memref_slice %arg3[%select_n3A_8, %dma_start3A] : memref<2688x128xi32, #tpu.memory_space<hbm>> -> memref<128x128xi32, #tpu.memory_space<hbm>>
      %dma_start3A_29 = arith.constant 0 : i32
      %dma_start3A_30 = tpu.memref_slice %arg3[%select_n3A_8, %dma_start3A_29] : memref<2688x128xi32, #tpu.memory_space<hbm>> -> memref<128x128xi32, #tpu.memory_space<hbm>>
      tpu.enqueue_dma source(%dma_start3A_30 : memref<128x128xi32, #tpu.memory_space<hbm>>) target(%arg6 : memref<128x128xi32, #tpu.memory_space<vmem>>) target_semaphore(%run_scoped3A : memref<!tpu.dma_semaphore, #tpu.memory_space<semaphore_mem>>)
      %dma_wait3A = arith.constant 0 : i32
      %dma_wait3A_31 = tpu.memref_slice %arg3[%select_n3A_8, %dma_wait3A] : memref<2688x128xi32, #tpu.memory_space<hbm>> -> memref<128x128xi32, #tpu.memory_space<hbm>>
      %dma_wait3A_32 = arith.constant 0 : i32
      %dma_wait3A_33 = tpu.memref_slice %arg3[%select_n3A_8, %dma_wait3A_32] : memref<2688x128xi32, #tpu.memory_space<hbm>> -> memref<128x128xi32, #tpu.memory_space<hbm>>
      tpu.wait_dma2 semaphore(%run_scoped3A : memref<!tpu.dma_semaphore, #tpu.memory_space<semaphore_mem>>) src(%dma_wait3A_33 : memref<128x128xi32, #tpu.memory_space<hbm>>) dst(%arg6 : memref<128x128xi32, #tpu.memory_space<vmem>>)
      tpu.yield
    }) : () -> ()
    "tpu.region"() ({
      %run_scoped3A = tpu.sem_alloc : memref<!tpu.dma_semaphore, #tpu.memory_space<semaphore_mem>>
      %dma_start3A = arith.constant 0 : i32
      %dma_start3A_28 = tpu.memref_slice %arg4[%select_n3A_8, %dma_start3A] : memref<2688x128xi32, #tpu.memory_space<hbm>> -> memref<128x128xi32, #tpu.memory_space<hbm>>
      %dma_start3A_29 = arith.constant 0 : i32
      %dma_start3A_30 = tpu.memref_slice %arg4[%select_n3A_8, %dma_start3A_29] : memref<2688x128xi32, #tpu.memory_space<hbm>> -> memref<128x128xi32, #tpu.memory_space<hbm>>
      tpu.enqueue_dma source(%dma_start3A_30 : memref<128x128xi32, #tpu.memory_space<hbm>>) target(%arg7 : memref<128x128xi32, #tpu.memory_space<vmem>>) target_semaphore(%run_scoped3A : memref<!tpu.dma_semaphore, #tpu.memory_space<semaphore_mem>>)
      %dma_wait3A = arith.constant 0 : i32
      %dma_wait3A_31 = tpu.memref_slice %arg4[%select_n3A_8, %dma_wait3A] : memref<2688x128xi32, #tpu.memory_space<hbm>> -> memref<128x128xi32, #tpu.memory_space<hbm>>
      %dma_wait3A_32 = arith.constant 0 : i32
      %dma_wait3A_33 = tpu.memref_slice %arg4[%select_n3A_8, %dma_wait3A_32] : memref<2688x128xi32, #tpu.memory_space<hbm>> -> memref<128x128xi32, #tpu.memory_space<hbm>>
      tpu.wait_dma2 semaphore(%run_scoped3A : memref<!tpu.dma_semaphore, #tpu.memory_space<semaphore_mem>>) src(%dma_wait3A_33 : memref<128x128xi32, #tpu.memory_space<hbm>>) dst(%arg7 : memref<128x128xi32, #tpu.memory_space<vmem>>)
      tpu.yield
    }) : () -> ()
    %scan3A = arith.constant 0 : i32
    %scan3A_9 = arith.constant 128 : i32
    %scan3A_10 = arith.addi %scan3A, %scan3A_9 : i32
    %scan3A_11 = arith.constant 1 : i32
    scf.for %scan3A_28 = %scan3A to %scan3A_10 step %scan3A_11  : i32 {
      %mul3A_29 = arith.constant 1 : i32
      %mul3A_30 = arith.muli %scan3A_28, %mul3A_29 : i32
      %add3A_31 = arith.constant 0 : i32
      %add3A_32 = arith.addi %add3A_31, %mul3A_30 : i32
      %scan3A_33 = arith.constant 0 : i32
      %scan3A_34 = arith.constant 8 : i32
      %scan3A_35 = arith.addi %scan3A_33, %scan3A_34 : i32
      %scan3A_36 = arith.constant 1 : i32
      scf.for %scan3A_38 = %scan3A_33 to %scan3A_35 step %scan3A_36  : i32 {
        %mul3A_39 = arith.constant 1 : i32
        %mul3A_40 = arith.muli %scan3A_38, %mul3A_39 : i32
        %add3A_41 = arith.constant 0 : i32
        %add3A_42 = arith.addi %add3A_41, %mul3A_40 : i32
        %broadcast_in_dim3A = arith.constant 0.000000e+00 : f32
        %broadcast_in_dim3A_43 = vector.broadcast %broadcast_in_dim3A : f32 to vector<16xf32>
        %mul3A_44 = arith.constant 16 : i32
        %mul3A_45 = arith.muli %add3A_42, %mul3A_44 : i32
        %swap3A = arith.index_cast %add3A_32 : i32 to index
        %swap3A_46 = arith.index_cast %mul3A_45 : i32 to index
        %swap3A_47 = tpu.vector_load %arg8[%swap3A, %swap3A_46] {strides = array<i32>} : memref<128x128xf32, #tpu.memory_space<vmem>>, vector<1x16xf32>,
        %swap3A_48 = vector.shape_cast %swap3A_47 : vector<1x16xf32> to vector<16xf32>
        %swap3A_49 = vector.shape_cast %broadcast_in_dim3A_43 : vector<16xf32> to vector<1x16xf32>
        tpu.vector_store %arg8[%swap3A, %swap3A_46], %swap3A_49 {strides = array<i32>} : memref<128x128xf32, #tpu.memory_space<vmem>>, vector<1x16xf32>,
      }
      %scan3A_37 = arith.constant 8 : i32
    }
    %scan3A_12 = arith.constant 128 : i32
    %scan3A_13 = arith.constant 0 : i32
    %scan3A_14 = arith.constant 5 : i32
    %scan3A_15 = arith.addi %scan3A_13, %scan3A_14 : i32
    %scan3A_16 = arith.constant 1 : i32
    scf.for %scan3A_28 = %scan3A_13 to %scan3A_15 step %scan3A_16  : i32 {
      %mul3A_29 = arith.constant 1 : i32
      %mul3A_30 = arith.muli %scan3A_28, %mul3A_29 : i32
      %add3A_31 = arith.constant 0 : i32
      %add3A_32 = arith.addi %add3A_31, %mul3A_30 : i32
      %mul3A_33 = arith.constant 640 : i32
      %mul3A_34 = arith.muli %arg1, %mul3A_33 : i32
      %mul3A_35 = arith.constant 128 : i32
      %mul3A_36 = arith.muli %add3A_32, %mul3A_35 : i32
      %add3A_37 = arith.addi %mul3A_34, %mul3A_36 : i32
      "tpu.region"() ({
        %run_scoped3A = tpu.sem_alloc : memref<!tpu.dma_semaphore, #tpu.memory_space<semaphore_mem>>
        %dma_start3A = arith.constant 0 : i32
        %dma_start3A_38 = tpu.memref_slice %arg9[%add3A_37, %dma_start3A] : memref<10240x128xf32, #tpu.memory_space<vmem_shared>> -> memref<128x128xf32, #tpu.memory_space<vmem_shared>>
        %dma_start3A_39 = arith.constant 0 : i32
        %dma_start3A_40 = tpu.memref_slice %arg9[%add3A_37, %dma_start3A_39] : memref<10240x128xf32, #tpu.memory_space<vmem_shared>> -> memref<128x128xf32, #tpu.memory_space<vmem_shared>>
        tpu.enqueue_dma source(%arg8 : memref<128x128xf32, #tpu.memory_space<vmem>>) target(%dma_start3A_40 : memref<128x128xf32, #tpu.memory_space<vmem_shared>>) target_semaphore(%run_scoped3A : memref<!tpu.dma_semaphore, #tpu.memory_space<semaphore_mem>>)
        %dma_wait3A = arith.constant 0 : i32
        %dma_wait3A_41 = tpu.memref_slice %arg9[%add3A_37, %dma_wait3A] : memref<10240x128xf32, #tpu.memory_space<vmem_shared>> -> memref<128x128xf32, #tpu.memory_space<vmem_shared>>
        %dma_wait3A_42 = arith.constant 0 : i32
        %dma_wait3A_43 = tpu.memref_slice %arg9[%add3A_37, %dma_wait3A_42] : memref<10240x128xf32, #tpu.memory_space<vmem_shared>> -> memref<128x128xf32, #tpu.memory_space<vmem_shared>>
        tpu.wait_dma2 semaphore(%run_scoped3A : memref<!tpu.dma_semaphore, #tpu.memory_space<semaphore_mem>>) src(%arg8 : memref<128x128xf32, #tpu.memory_space<vmem>>) dst(%dma_wait3A_43 : memref<128x128xf32, #tpu.memory_space<vmem_shared>>)
        tpu.yield
      }) : () -> ()
    }
    %scan3A_17 = arith.constant 5 : i32
    %barrier3A = arith.constant 0 : index
    tpu.barrier barrier_id(%barrier3A)
    %scan3A_18 = arith.constant 0 : i32
    %scan3A_19 = arith.constant 128 : i32
    %scan3A_20 = arith.addi %scan3A_18, %scan3A_19 : i32
    %scan3A_21 = arith.constant 1 : i32
    scf.for %scan3A_28 = %scan3A_18 to %scan3A_20 step %scan3A_21  : i32 {
      %mul3A_29 = arith.constant 1 : i32
      %mul3A_30 = arith.muli %scan3A_28, %mul3A_29 : i32
      %add3A_31 = arith.constant 0 : i32
      %add3A_32 = arith.addi %add3A_31, %mul3A_30 : i32
      %lt3A = arith.cmpi slt, %add3A_32, %select_n3A : i32
      %convert_element_type3A = arith.extui %lt3A : i1 to i32
      %cond3A = arith.constant 0 : i32
      %cond3A_33 = arith.cmpi ne, %convert_element_type3A, %cond3A : i32
      scf.if %cond3A_33 {
        "tpu.region"() ({
          %run_scoped3A = tpu.sem_alloc : memref<!tpu.dma_semaphore, #tpu.memory_space<semaphore_mem>>
          %dma_start3A = arith.constant 0 : i32
          %dma_start3A_34 = tpu.memref_slice %arg6[%add3A_32, %dma_start3A] : memref<128x128xi32, #tpu.memory_space<vmem>> -> memref<1x128xi32, #tpu.memory_space<vmem>>
          %dma_start3A_35 = tpu.memref_squeeze %dma_start3A_34 : memref<1x128xi32, #tpu.memory_space<vmem>> -> memref<128xi32, #tpu.memory_space<vmem>>
          %dma_start3A_36 = arith.constant 0 : i32
          %dma_start3A_37 = arith.constant 0 : i32
          %dma_start3A_38 = tpu.memref_slice %arg2[%dma_start3A_36, %dma_start3A_37] : memref<10240x128xf32, #tpu.memory_space<hbm>> -> memref<10240x128xf32, #tpu.memory_space<hbm>>
          tpu.enqueue_indirect_dma source(%dma_start3A_38 : memref<10240x128xf32, #tpu.memory_space<hbm>>) target(%arg8 : memref<128x128xf32, #tpu.memory_space<vmem>>) offsets(%dma_start3A_35 : memref<128xi32, #tpu.memory_space<vmem>>) semaphore(%run_scoped3A : memref<!tpu.dma_semaphore, #tpu.memory_space<semaphore_mem>>)
          %dma_wait3A = arith.constant 0 : i32
          %dma_wait3A_39 = tpu.memref_slice %arg6[%add3A_32, %dma_wait3A] : memref<128x128xi32, #tpu.memory_space<vmem>> -> memref<1x128xi32, #tpu.memory_space<vmem>>
          %dma_wait3A_40 = tpu.memref_squeeze %dma_wait3A_39 : memref<1x128xi32, #tpu.memory_space<vmem>> -> memref<128xi32, #tpu.memory_space<vmem>>
          %dma_wait3A_41 = arith.constant 0 : i32
          %dma_wait3A_42 = arith.constant 0 : i32
          %dma_wait3A_43 = tpu.memref_slice %arg2[%dma_wait3A_41, %dma_wait3A_42] : memref<10240x128xf32, #tpu.memory_space<hbm>> -> memref<10240x128xf32, #tpu.memory_space<hbm>>
          tpu.wait_indirect_dma semaphore(%run_scoped3A : memref<!tpu.dma_semaphore, #tpu.memory_space<semaphore_mem>>) src(%dma_wait3A_43 : memref<10240x128xf32, #tpu.memory_space<hbm>>) dst(%arg8 : memref<128x128xf32, #tpu.memory_space<vmem>>)
          tpu.yield
        }) : () -> ()
        "tpu.region"() ({
          %run_scoped3A = tpu.sem_alloc : memref<!tpu.dma_semaphore, #tpu.memory_space<semaphore_mem>>
          %dma_start3A = arith.constant 0 : i32
          %dma_start3A_34 = tpu.memref_slice %arg7[%add3A_32, %dma_start3A] : memref<128x128xi32, #tpu.memory_space<vmem>> -> memref<1x128xi32, #tpu.memory_space<vmem>>
          %dma_start3A_35 = tpu.memref_squeeze %dma_start3A_34 : memref<1x128xi32, #tpu.memory_space<vmem>> -> memref<128xi32, #tpu.memory_space<vmem>>
          %dma_start3A_36 = arith.constant 0 : i32
          %dma_start3A_37 = arith.constant 0 : i32
          %dma_start3A_38 = tpu.memref_slice %arg9[%dma_start3A_36, %dma_start3A_37] : memref<10240x128xf32, #tpu.memory_space<vmem_shared>> -> memref<10240x128xf32, #tpu.memory_space<vmem_shared>>
          tpu.enqueue_indirect_dma source(%arg8 : memref<128x128xf32, #tpu.memory_space<vmem>>) target(%dma_start3A_38 : memref<10240x128xf32, #tpu.memory_space<vmem_shared>>) offsets(%dma_start3A_35 : memref<128xi32, #tpu.memory_space<vmem>>) semaphore(%run_scoped3A : memref<!tpu.dma_semaphore, #tpu.memory_space<semaphore_mem>>) {add = true}
          %dma_wait3A = arith.constant 0 : i32
          %dma_wait3A_39 = tpu.memref_slice %arg7[%add3A_32, %dma_wait3A] : memref<128x128xi32, #tpu.memory_space<vmem>> -> memref<1x128xi32, #tpu.memory_space<vmem>>
          %dma_wait3A_40 = tpu.memref_squeeze %dma_wait3A_39 : memref<1x128xi32, #tpu.memory_space<vmem>> -> memref<128xi32, #tpu.memory_space<vmem>>
          %dma_wait3A_41 = arith.constant 0 : i32
          %dma_wait3A_42 = arith.constant 0 : i32
          %dma_wait3A_43 = tpu.memref_slice %arg9[%dma_wait3A_41, %dma_wait3A_42] : memref<10240x128xf32, #tpu.memory_space<vmem_shared>> -> memref<10240x128xf32, #tpu.memory_space<vmem_shared>>
          tpu.wait_indirect_dma semaphore(%run_scoped3A : memref<!tpu.dma_semaphore, #tpu.memory_space<semaphore_mem>>) src(%arg8 : memref<128x128xf32, #tpu.memory_space<vmem>>) dst(%dma_wait3A_43 : memref<10240x128xf32, #tpu.memory_space<vmem_shared>>)
          tpu.yield
        }) : () -> ()
      } else {
      }
    }
    %scan3A_22 = arith.constant 128 : i32
    %barrier3A_23 = arith.constant 0 : index
    tpu.barrier barrier_id(%barrier3A_23)
    %mul3A_24 = arith.constant 640 : i32
    %mul3A_25 = arith.muli %arg1, %mul3A_24 : i32
    %mul3A_26 = arith.constant 640 : i32
    %mul3A_27 = arith.muli %arg1, %mul3A_26 : i32
    "tpu.region"() ({
      %run_scoped3A = tpu.sem_alloc : memref<!tpu.dma_semaphore, #tpu.memory_space<semaphore_mem>>
      %dma_start3A = arith.constant 0 : i32
      %dma_start3A_28 = tpu.memref_slice %arg5[%arg0, %mul3A_27, %dma_start3A] : memref<2x10240x128xf32, #tpu.memory_space<hbm>> -> memref<1x640x128xf32, #tpu.memory_space<hbm>>
      %dma_start3A_29 = tpu.memref_squeeze %dma_start3A_28 : memref<1x640x128xf32, #tpu.memory_space<hbm>> -> memref<640x128xf32, #tpu.memory_space<hbm>>
      %dma_start3A_30 = arith.constant 0 : i32
      %dma_start3A_31 = tpu.memref_slice %arg9[%mul3A_25, %dma_start3A_30] : memref<10240x128xf32, #tpu.memory_space<vmem_shared>> -> memref<640x128xf32, #tpu.memory_space<vmem_shared>>
      tpu.enqueue_dma source(%dma_start3A_31 : memref<640x128xf32, #tpu.memory_space<vmem_shared>>) target(%dma_start3A_29 : memref<640x128xf32, #tpu.memory_space<hbm>>) target_semaphore(%run_scoped3A : memref<!tpu.dma_semaphore, #tpu.memory_space<semaphore_mem>>)
      %dma_wait3A = arith.constant 0 : i32
      %dma_wait3A_32 = tpu.memref_slice %arg5[%arg0, %mul3A_27, %dma_wait3A] : memref<2x10240x128xf32, #tpu.memory_space<hbm>> -> memref<1x640x128xf32, #tpu.memory_space<hbm>>
      %dma_wait3A_33 = tpu.memref_squeeze %dma_wait3A_32 : memref<1x640x128xf32, #tpu.memory_space<hbm>> -> memref<640x128xf32, #tpu.memory_space<hbm>>
      %dma_wait3A_34 = arith.constant 0 : i32
      %dma_wait3A_35 = tpu.memref_slice %arg9[%mul3A_25, %dma_wait3A_34] : memref<10240x128xf32, #tpu.memory_space<vmem_shared>> -> memref<640x128xf32, #tpu.memory_space<vmem_shared>>
      tpu.wait_dma2 semaphore(%run_scoped3A : memref<!tpu.dma_semaphore, #tpu.memory_space<semaphore_mem>>) src(%dma_wait3A_35 : memref<640x128xf32, #tpu.memory_space<vmem_shared>>) dst(%dma_wait3A_33 : memref<640x128xf32, #tpu.memory_space<hbm>>)
      tpu.yield
    }) : () -> ()
    return
  }
}

#map = affine_map<(d0, d1) -> (0, 0)>
module attributes {stable_mosaic.version = 14 : i64} {
  func.func @_deg_kernel(%arg0: i32, %arg1: i32, %arg2: memref<2688x128xi32, #tpu.memory_space<hbm>>, %arg3: memref<2x10240xf32, #tpu.memory_space<hbm>>, %arg4: memref<80x128xi32, #tpu.memory_space<vmem>>, %arg5: memref<128xf32, #tpu.memory_space<vmem>>, %arg6: memref<10240xf32, #tpu.memory_space<vmem_shared>>) attributes {dimension_semantics = [#tpu.dimension_semantics<core_parallel>, #tpu.dimension_semantics<subcore_parallel>], iteration_bounds = array<i64: 2, 16>, scalar_prefetch = 0 : i64, scratch_operands = 3 : i64, tpu.core_type = #tpu.core_type<sc_vector_subcore>, window_params = [{transform_indices = #map}, {transform_indices = #map}]} {
    %mul3A = arith.constant 16 : i32
    %mul3A_0 = arith.muli %arg0, %mul3A : i32
    %add3A = arith.addi %mul3A_0, %arg1 : i32
    %mul3A_1 = arith.constant 80 : i32
    %mul3A_2 = arith.muli %add3A, %mul3A_1 : i32
    "tpu.region"() ({
      %run_scoped3A = tpu.sem_alloc : memref<!tpu.dma_semaphore, #tpu.memory_space<semaphore_mem>>
      %dma_start3A = arith.constant 0 : i32
      %dma_start3A_27 = tpu.memref_slice %arg2[%mul3A_2, %dma_start3A] : memref<2688x128xi32, #tpu.memory_space<hbm>> -> memref<80x128xi32, #tpu.memory_space<hbm>>
      %dma_start3A_28 = arith.constant 0 : i32
      %dma_start3A_29 = tpu.memref_slice %arg2[%mul3A_2, %dma_start3A_28] : memref<2688x128xi32, #tpu.memory_space<hbm>> -> memref<80x128xi32, #tpu.memory_space<hbm>>
      tpu.enqueue_dma source(%dma_start3A_29 : memref<80x128xi32, #tpu.memory_space<hbm>>) target(%arg4 : memref<80x128xi32, #tpu.memory_space<vmem>>) target_semaphore(%run_scoped3A : memref<!tpu.dma_semaphore, #tpu.memory_space<semaphore_mem>>)
      %dma_wait3A = arith.constant 0 : i32
      %dma_wait3A_30 = tpu.memref_slice %arg2[%mul3A_2, %dma_wait3A] : memref<2688x128xi32, #tpu.memory_space<hbm>> -> memref<80x128xi32, #tpu.memory_space<hbm>>
      %dma_wait3A_31 = arith.constant 0 : i32
      %dma_wait3A_32 = tpu.memref_slice %arg2[%mul3A_2, %dma_wait3A_31] : memref<2688x128xi32, #tpu.memory_space<hbm>> -> memref<80x128xi32, #tpu.memory_space<hbm>>
      tpu.wait_dma2 semaphore(%run_scoped3A : memref<!tpu.dma_semaphore, #tpu.memory_space<semaphore_mem>>) src(%dma_wait3A_32 : memref<80x128xi32, #tpu.memory_space<hbm>>) dst(%arg4 : memref<80x128xi32, #tpu.memory_space<vmem>>)
      tpu.yield
    }) : () -> ()
    %scan3A = arith.constant 0 : i32
    %scan3A_3 = arith.constant 8 : i32
    %scan3A_4 = arith.addi %scan3A, %scan3A_3 : i32
    %scan3A_5 = arith.constant 1 : i32
    scf.for %scan3A_27 = %scan3A to %scan3A_4 step %scan3A_5  : i32 {
      %mul3A_28 = arith.constant 1 : i32
      %mul3A_29 = arith.muli %scan3A_27, %mul3A_28 : i32
      %add3A_30 = arith.constant 0 : i32
      %add3A_31 = arith.addi %add3A_30, %mul3A_29 : i32
      %broadcast_in_dim3A = arith.constant 0.000000e+00 : f32
      %broadcast_in_dim3A_32 = vector.broadcast %broadcast_in_dim3A : f32 to vector<16xf32>
      %mul3A_33 = arith.constant 16 : i32
      %mul3A_34 = arith.muli %add3A_31, %mul3A_33 : i32
      %swap3A = arith.index_cast %mul3A_34 : i32 to index
      %swap3A_35 = tpu.vector_load %arg5[%swap3A] {strides = array<i32>} : memref<128xf32, #tpu.memory_space<vmem>>, vector<16xf32>,
      %swap3A_36 = vector.shape_cast %swap3A_35 : vector<16xf32> to vector<16xf32>
      %swap3A_37 = vector.shape_cast %broadcast_in_dim3A_32 : vector<16xf32> to vector<16xf32>
      tpu.vector_store %arg5[%swap3A], %swap3A_37 {strides = array<i32>} : memref<128xf32, #tpu.memory_space<vmem>>, vector<16xf32>,
    }
    %scan3A_6 = arith.constant 8 : i32
    %scan3A_7 = arith.constant 0 : i32
    %scan3A_8 = arith.constant 5 : i32
    %scan3A_9 = arith.addi %scan3A_7, %scan3A_8 : i32
    %scan3A_10 = arith.constant 1 : i32
    scf.for %scan3A_27 = %scan3A_7 to %scan3A_9 step %scan3A_10  : i32 {
      %mul3A_28 = arith.constant 1 : i32
      %mul3A_29 = arith.muli %scan3A_27, %mul3A_28 : i32
      %add3A_30 = arith.constant 0 : i32
      %add3A_31 = arith.addi %add3A_30, %mul3A_29 : i32
      %mul3A_32 = arith.constant 640 : i32
      %mul3A_33 = arith.muli %arg1, %mul3A_32 : i32
      %mul3A_34 = arith.constant 128 : i32
      %mul3A_35 = arith.muli %add3A_31, %mul3A_34 : i32
      %add3A_36 = arith.addi %mul3A_33, %mul3A_35 : i32
      "tpu.region"() ({
        %run_scoped3A = tpu.sem_alloc : memref<!tpu.dma_semaphore, #tpu.memory_space<semaphore_mem>>
        %dma_start3A = tpu.memref_slice %arg6[%add3A_36] : memref<10240xf32, #tpu.memory_space<vmem_shared>> -> memref<128xf32, #tpu.memory_space<vmem_shared>>
        %dma_start3A_37 = tpu.memref_slice %arg6[%add3A_36] : memref<10240xf32, #tpu.memory_space<vmem_shared>> -> memref<128xf32, #tpu.memory_space<vmem_shared>>
        tpu.enqueue_dma source(%arg5 : memref<128xf32, #tpu.memory_space<vmem>>) target(%dma_start3A_37 : memref<128xf32, #tpu.memory_space<vmem_shared>>) target_semaphore(%run_scoped3A : memref<!tpu.dma_semaphore, #tpu.memory_space<semaphore_mem>>)
        %dma_wait3A = tpu.memref_slice %arg6[%add3A_36] : memref<10240xf32, #tpu.memory_space<vmem_shared>> -> memref<128xf32, #tpu.memory_space<vmem_shared>>
        %dma_wait3A_38 = tpu.memref_slice %arg6[%add3A_36] : memref<10240xf32, #tpu.memory_space<vmem_shared>> -> memref<128xf32, #tpu.memory_space<vmem_shared>>
        tpu.wait_dma2 semaphore(%run_scoped3A : memref<!tpu.dma_semaphore, #tpu.memory_space<semaphore_mem>>) src(%arg5 : memref<128xf32, #tpu.memory_space<vmem>>) dst(%dma_wait3A_38 : memref<128xf32, #tpu.memory_space<vmem_shared>>)
        tpu.yield
      }) : () -> ()
    }
    %scan3A_11 = arith.constant 5 : i32
    %scan3A_12 = arith.constant 0 : i32
    %scan3A_13 = arith.constant 8 : i32
    %scan3A_14 = arith.addi %scan3A_12, %scan3A_13 : i32
    %scan3A_15 = arith.constant 1 : i32
    scf.for %scan3A_27 = %scan3A_12 to %scan3A_14 step %scan3A_15  : i32 {
      %mul3A_28 = arith.constant 1 : i32
      %mul3A_29 = arith.muli %scan3A_27, %mul3A_28 : i32
      %add3A_30 = arith.constant 0 : i32
      %add3A_31 = arith.addi %add3A_30, %mul3A_29 : i32
      %broadcast_in_dim3A = arith.constant 1.000000e+00 : f32
      %broadcast_in_dim3A_32 = vector.broadcast %broadcast_in_dim3A : f32 to vector<16xf32>
      %mul3A_33 = arith.constant 16 : i32
      %mul3A_34 = arith.muli %add3A_31, %mul3A_33 : i32
      %swap3A = arith.index_cast %mul3A_34 : i32 to index
      %swap3A_35 = tpu.vector_load %arg5[%swap3A] {strides = array<i32>} : memref<128xf32, #tpu.memory_space<vmem>>, vector<16xf32>,
      %swap3A_36 = vector.shape_cast %swap3A_35 : vector<16xf32> to vector<16xf32>
      %swap3A_37 = vector.shape_cast %broadcast_in_dim3A_32 : vector<16xf32> to vector<16xf32>
      tpu.vector_store %arg5[%swap3A], %swap3A_37 {strides = array<i32>} : memref<128xf32, #tpu.memory_space<vmem>>, vector<16xf32>,
    }
    %scan3A_16 = arith.constant 8 : i32
    %barrier3A = arith.constant 0 : index
    tpu.barrier barrier_id(%barrier3A)
    %scan3A_17 = arith.constant 0 : i32
    %scan3A_18 = arith.constant 80 : i32
    %scan3A_19 = arith.addi %scan3A_17, %scan3A_18 : i32
    %scan3A_20 = arith.constant 1 : i32
    scf.for %scan3A_27 = %scan3A_17 to %scan3A_19 step %scan3A_20  : i32 {
      %mul3A_28 = arith.constant 1 : i32
      %mul3A_29 = arith.muli %scan3A_27, %mul3A_28 : i32
      %add3A_30 = arith.constant 0 : i32
      %add3A_31 = arith.addi %add3A_30, %mul3A_29 : i32
      "tpu.region"() ({
        %run_scoped3A = tpu.sem_alloc : memref<!tpu.dma_semaphore, #tpu.memory_space<semaphore_mem>>
        %dma_start3A = arith.constant 0 : i32
        %dma_start3A_32 = tpu.memref_slice %arg4[%add3A_31, %dma_start3A] : memref<80x128xi32, #tpu.memory_space<vmem>> -> memref<1x128xi32, #tpu.memory_space<vmem>>
        %dma_start3A_33 = tpu.memref_squeeze %dma_start3A_32 : memref<1x128xi32, #tpu.memory_space<vmem>> -> memref<128xi32, #tpu.memory_space<vmem>>
        %dma_start3A_34 = arith.constant 0 : i32
        %dma_start3A_35 = tpu.memref_slice %arg6[%dma_start3A_34] : memref<10240xf32, #tpu.memory_space<vmem_shared>> -> memref<10240xf32, #tpu.memory_space<vmem_shared>>
        tpu.enqueue_indirect_dma source(%arg5 : memref<128xf32, #tpu.memory_space<vmem>>) target(%dma_start3A_35 : memref<10240xf32, #tpu.memory_space<vmem_shared>>) offsets(%dma_start3A_33 : memref<128xi32, #tpu.memory_space<vmem>>) semaphore(%run_scoped3A : memref<!tpu.dma_semaphore, #tpu.memory_space<semaphore_mem>>) {add = true}
        %dma_wait3A = arith.constant 0 : i32
        %dma_wait3A_36 = tpu.memref_slice %arg4[%add3A_31, %dma_wait3A] : memref<80x128xi32, #tpu.memory_space<vmem>> -> memref<1x128xi32, #tpu.memory_space<vmem>>
        %dma_wait3A_37 = tpu.memref_squeeze %dma_wait3A_36 : memref<1x128xi32, #tpu.memory_space<vmem>> -> memref<128xi32, #tpu.memory_space<vmem>>
        %dma_wait3A_38 = arith.constant 0 : i32
        %dma_wait3A_39 = tpu.memref_slice %arg6[%dma_wait3A_38] : memref<10240xf32, #tpu.memory_space<vmem_shared>> -> memref<10240xf32, #tpu.memory_space<vmem_shared>>
        tpu.wait_indirect_dma semaphore(%run_scoped3A : memref<!tpu.dma_semaphore, #tpu.memory_space<semaphore_mem>>) src(%arg5 : memref<128xf32, #tpu.memory_space<vmem>>) dst(%dma_wait3A_39 : memref<10240xf32, #tpu.memory_space<vmem_shared>>)
        tpu.yield
      }) : () -> ()
    }
    %scan3A_21 = arith.constant 80 : i32
    %barrier3A_22 = arith.constant 0 : index
    tpu.barrier barrier_id(%barrier3A_22)
    %mul3A_23 = arith.constant 640 : i32
    %mul3A_24 = arith.muli %arg1, %mul3A_23 : i32
    %mul3A_25 = arith.constant 640 : i32
    %mul3A_26 = arith.muli %arg1, %mul3A_25 : i32
    "tpu.region"() ({
      %run_scoped3A = tpu.sem_alloc : memref<!tpu.dma_semaphore, #tpu.memory_space<semaphore_mem>>
      %dma_start3A = tpu.memref_slice %arg3[%arg0, %mul3A_26] : memref<2x10240xf32, #tpu.memory_space<hbm>> -> memref<1x640xf32, #tpu.memory_space<hbm>>
      %dma_start3A_27 = tpu.memref_squeeze %dma_start3A : memref<1x640xf32, #tpu.memory_space<hbm>> -> memref<640xf32, #tpu.memory_space<hbm>>
      %dma_start3A_28 = tpu.memref_slice %arg6[%mul3A_24] : memref<10240xf32, #tpu.memory_space<vmem_shared>> -> memref<640xf32, #tpu.memory_space<vmem_shared>>
      tpu.enqueue_dma source(%dma_start3A_28 : memref<640xf32, #tpu.memory_space<vmem_shared>>) target(%dma_start3A_27 : memref<640xf32, #tpu.memory_space<hbm>>) target_semaphore(%run_scoped3A : memref<!tpu.dma_semaphore, #tpu.memory_space<semaphore_mem>>)
      %dma_wait3A = tpu.memref_slice %arg3[%arg0, %mul3A_26] : memref<2x10240xf32, #tpu.memory_space<hbm>> -> memref<1x640xf32, #tpu.memory_space<hbm>>
      %dma_wait3A_29 = tpu.memref_squeeze %dma_wait3A : memref<1x640xf32, #tpu.memory_space<hbm>> -> memref<640xf32, #tpu.memory_space<hbm>>
      %dma_wait3A_30 = tpu.memref_slice %arg6[%mul3A_24] : memref<10240xf32, #tpu.memory_space<vmem_shared>> -> memref<640xf32, #tpu.memory_space<vmem_shared>>
      tpu.wait_dma2 semaphore(%run_scoped3A : memref<!tpu.dma_semaphore, #tpu.memory_space<semaphore_mem>>) src(%dma_wait3A_30 : memref<640xf32, #tpu.memory_space<vmem_shared>>) dst(%dma_wait3A_29 : memref<640xf32, #tpu.memory_space<hbm>>)
      tpu.yield
    }) : () -> ()
    return
  }
}

#map = affine_map<(d0, d1) -> (0, 0)>
#map1 = affine_map<(d0, d1) -> (0, 0, 0)>
module attributes {stable_mosaic.version = 14 : i64} {
  func.func @_scatter_kernel(%arg0: i32, %arg1: i32, %arg2: memref<10240x128xf32, #tpu.memory_space<hbm>>, %arg3: memref<2688x128xi32, #tpu.memory_space<hbm>>, %arg4: memref<2688x128xi32, #tpu.memory_space<hbm>>, %arg5: memref<2x10240x128xf32, #tpu.memory_space<hbm>>, %arg6: memref<128x128xi32, #tpu.memory_space<vmem>>, %arg7: memref<128x128xi32, #tpu.memory_space<vmem>>, %arg8: memref<128x128xf32, #tpu.memory_space<vmem>>, %arg9: memref<10240x128xf32, #tpu.memory_space<vmem_shared>>) attributes {dimension_semantics = [#tpu.dimension_semantics<core_parallel>, #tpu.dimension_semantics<subcore_parallel>], iteration_bounds = array<i64: 2, 16>, scalar_prefetch = 0 : i64, scratch_operands = 4 : i64, tpu.core_type = #tpu.core_type<sc_vector_subcore>, window_params = [{transform_indices = #map}, {transform_indices = #map}, {transform_indices = #map}, {transform_indices = #map1}]} {
    %eq3A = arith.constant 0 : i32
    %eq3A_0 = arith.cmpi eq, %arg0, %eq3A : i32
    %jit3A = arith.constant 128 : i32
    %jit3A_1 = arith.constant 32 : i32
    %select_n3A = arith.select %eq3A_0, %jit3A, %jit3A_1 : i32
    %eq3A_2 = arith.constant 0 : i32
    %eq3A_3 = arith.cmpi eq, %arg0, %eq3A_2 : i32
    %mul3A = arith.constant 128 : i32
    %mul3A_4 = arith.muli %arg1, %mul3A : i32
    %mul3A_5 = arith.constant 32 : i32
    %mul3A_6 = arith.muli %arg1, %mul3A_5 : i32
    %add3A = arith.constant 2048 : i32
    %add3A_7 = arith.addi %add3A, %mul3A_6 : i32
    %select_n3A_8 = arith.select %eq3A_3, %mul3A_4, %add3A_7 : i32
    "tpu.region"() ({
      %run_scoped3A = tpu.sem_alloc : memref<!tpu.dma_semaphore, #tpu.memory_space<semaphore_mem>>
      %dma_start3A = arith.constant 0 : i32
      %dma_start3A_28 = tpu.memref_slice %arg3[%select_n3A_8, %dma_start3A] : memref<2688x128xi32, #tpu.memory_space<hbm>> -> memref<128x128xi32, #tpu.memory_space<hbm>>
      %dma_start3A_29 = arith.constant 0 : i32
      %dma_start3A_30 = tpu.memref_slice %arg3[%select_n3A_8, %dma_start3A_29] : memref<2688x128xi32, #tpu.memory_space<hbm>> -> memref<128x128xi32, #tpu.memory_space<hbm>>
      tpu.enqueue_dma source(%dma_start3A_30 : memref<128x128xi32, #tpu.memory_space<hbm>>) target(%arg6 : memref<128x128xi32, #tpu.memory_space<vmem>>) target_semaphore(%run_scoped3A : memref<!tpu.dma_semaphore, #tpu.memory_space<semaphore_mem>>)
      %dma_wait3A = arith.constant 0 : i32
      %dma_wait3A_31 = tpu.memref_slice %arg3[%select_n3A_8, %dma_wait3A] : memref<2688x128xi32, #tpu.memory_space<hbm>> -> memref<128x128xi32, #tpu.memory_space<hbm>>
      %dma_wait3A_32 = arith.constant 0 : i32
      %dma_wait3A_33 = tpu.memref_slice %arg3[%select_n3A_8, %dma_wait3A_32] : memref<2688x128xi32, #tpu.memory_space<hbm>> -> memref<128x128xi32, #tpu.memory_space<hbm>>
      tpu.wait_dma2 semaphore(%run_scoped3A : memref<!tpu.dma_semaphore, #tpu.memory_space<semaphore_mem>>) src(%dma_wait3A_33 : memref<128x128xi32, #tpu.memory_space<hbm>>) dst(%arg6 : memref<128x128xi32, #tpu.memory_space<vmem>>)
      tpu.yield
    }) : () -> ()
    "tpu.region"() ({
      %run_scoped3A = tpu.sem_alloc : memref<!tpu.dma_semaphore, #tpu.memory_space<semaphore_mem>>
      %dma_start3A = arith.constant 0 : i32
      %dma_start3A_28 = tpu.memref_slice %arg4[%select_n3A_8, %dma_start3A] : memref<2688x128xi32, #tpu.memory_space<hbm>> -> memref<128x128xi32, #tpu.memory_space<hbm>>
      %dma_start3A_29 = arith.constant 0 : i32
      %dma_start3A_30 = tpu.memref_slice %arg4[%select_n3A_8, %dma_start3A_29] : memref<2688x128xi32, #tpu.memory_space<hbm>> -> memref<128x128xi32, #tpu.memory_space<hbm>>
      tpu.enqueue_dma source(%dma_start3A_30 : memref<128x128xi32, #tpu.memory_space<hbm>>) target(%arg7 : memref<128x128xi32, #tpu.memory_space<vmem>>) target_semaphore(%run_scoped3A : memref<!tpu.dma_semaphore, #tpu.memory_space<semaphore_mem>>)
      %dma_wait3A = arith.constant 0 : i32
      %dma_wait3A_31 = tpu.memref_slice %arg4[%select_n3A_8, %dma_wait3A] : memref<2688x128xi32, #tpu.memory_space<hbm>> -> memref<128x128xi32, #tpu.memory_space<hbm>>
      %dma_wait3A_32 = arith.constant 0 : i32
      %dma_wait3A_33 = tpu.memref_slice %arg4[%select_n3A_8, %dma_wait3A_32] : memref<2688x128xi32, #tpu.memory_space<hbm>> -> memref<128x128xi32, #tpu.memory_space<hbm>>
      tpu.wait_dma2 semaphore(%run_scoped3A : memref<!tpu.dma_semaphore, #tpu.memory_space<semaphore_mem>>) src(%dma_wait3A_33 : memref<128x128xi32, #tpu.memory_space<hbm>>) dst(%arg7 : memref<128x128xi32, #tpu.memory_space<vmem>>)
      tpu.yield
    }) : () -> ()
    %scan3A = arith.constant 0 : i32
    %scan3A_9 = arith.constant 128 : i32
    %scan3A_10 = arith.addi %scan3A, %scan3A_9 : i32
    %scan3A_11 = arith.constant 1 : i32
    scf.for %scan3A_28 = %scan3A to %scan3A_10 step %scan3A_11  : i32 {
      %mul3A_29 = arith.constant 1 : i32
      %mul3A_30 = arith.muli %scan3A_28, %mul3A_29 : i32
      %add3A_31 = arith.constant 0 : i32
      %add3A_32 = arith.addi %add3A_31, %mul3A_30 : i32
      %scan3A_33 = arith.constant 0 : i32
      %scan3A_34 = arith.constant 8 : i32
      %scan3A_35 = arith.addi %scan3A_33, %scan3A_34 : i32
      %scan3A_36 = arith.constant 1 : i32
      scf.for %scan3A_38 = %scan3A_33 to %scan3A_35 step %scan3A_36  : i32 {
        %mul3A_39 = arith.constant 1 : i32
        %mul3A_40 = arith.muli %scan3A_38, %mul3A_39 : i32
        %add3A_41 = arith.constant 0 : i32
        %add3A_42 = arith.addi %add3A_41, %mul3A_40 : i32
        %broadcast_in_dim3A = arith.constant 0.000000e+00 : f32
        %broadcast_in_dim3A_43 = vector.broadcast %broadcast_in_dim3A : f32 to vector<16xf32>
        %mul3A_44 = arith.constant 16 : i32
        %mul3A_45 = arith.muli %add3A_42, %mul3A_44 : i32
        %swap3A = arith.index_cast %add3A_32 : i32 to index
        %swap3A_46 = arith.index_cast %mul3A_45 : i32 to index
        %swap3A_47 = tpu.vector_load %arg8[%swap3A, %swap3A_46] {strides = array<i32>} : memref<128x128xf32, #tpu.memory_space<vmem>>, vector<1x16xf32>,
        %swap3A_48 = vector.shape_cast %swap3A_47 : vector<1x16xf32> to vector<16xf32>
        %swap3A_49 = vector.shape_cast %broadcast_in_dim3A_43 : vector<16xf32> to vector<1x16xf32>
        tpu.vector_store %arg8[%swap3A, %swap3A_46], %swap3A_49 {strides = array<i32>} : memref<128x128xf32, #tpu.memory_space<vmem>>, vector<1x16xf32>,
      }
      %scan3A_37 = arith.constant 8 : i32
    }
    %scan3A_12 = arith.constant 128 : i32
    %scan3A_13 = arith.constant 0 : i32
    %scan3A_14 = arith.constant 5 : i32
    %scan3A_15 = arith.addi %scan3A_13, %scan3A_14 : i32
    %scan3A_16 = arith.constant 1 : i32
    scf.for %scan3A_28 = %scan3A_13 to %scan3A_15 step %scan3A_16  : i32 {
      %mul3A_29 = arith.constant 1 : i32
      %mul3A_30 = arith.muli %scan3A_28, %mul3A_29 : i32
      %add3A_31 = arith.constant 0 : i32
      %add3A_32 = arith.addi %add3A_31, %mul3A_30 : i32
      %mul3A_33 = arith.constant 640 : i32
      %mul3A_34 = arith.muli %arg1, %mul3A_33 : i32
      %mul3A_35 = arith.constant 128 : i32
      %mul3A_36 = arith.muli %add3A_32, %mul3A_35 : i32
      %add3A_37 = arith.addi %mul3A_34, %mul3A_36 : i32
      "tpu.region"() ({
        %run_scoped3A = tpu.sem_alloc : memref<!tpu.dma_semaphore, #tpu.memory_space<semaphore_mem>>
        %dma_start3A = arith.constant 0 : i32
        %dma_start3A_38 = tpu.memref_slice %arg9[%add3A_37, %dma_start3A] : memref<10240x128xf32, #tpu.memory_space<vmem_shared>> -> memref<128x128xf32, #tpu.memory_space<vmem_shared>>
        %dma_start3A_39 = arith.constant 0 : i32
        %dma_start3A_40 = tpu.memref_slice %arg9[%add3A_37, %dma_start3A_39] : memref<10240x128xf32, #tpu.memory_space<vmem_shared>> -> memref<128x128xf32, #tpu.memory_space<vmem_shared>>
        tpu.enqueue_dma source(%arg8 : memref<128x128xf32, #tpu.memory_space<vmem>>) target(%dma_start3A_40 : memref<128x128xf32, #tpu.memory_space<vmem_shared>>) target_semaphore(%run_scoped3A : memref<!tpu.dma_semaphore, #tpu.memory_space<semaphore_mem>>)
        %dma_wait3A = arith.constant 0 : i32
        %dma_wait3A_41 = tpu.memref_slice %arg9[%add3A_37, %dma_wait3A] : memref<10240x128xf32, #tpu.memory_space<vmem_shared>> -> memref<128x128xf32, #tpu.memory_space<vmem_shared>>
        %dma_wait3A_42 = arith.constant 0 : i32
        %dma_wait3A_43 = tpu.memref_slice %arg9[%add3A_37, %dma_wait3A_42] : memref<10240x128xf32, #tpu.memory_space<vmem_shared>> -> memref<128x128xf32, #tpu.memory_space<vmem_shared>>
        tpu.wait_dma2 semaphore(%run_scoped3A : memref<!tpu.dma_semaphore, #tpu.memory_space<semaphore_mem>>) src(%arg8 : memref<128x128xf32, #tpu.memory_space<vmem>>) dst(%dma_wait3A_43 : memref<128x128xf32, #tpu.memory_space<vmem_shared>>)
        tpu.yield
      }) : () -> ()
    }
    %scan3A_17 = arith.constant 5 : i32
    %barrier3A = arith.constant 0 : index
    tpu.barrier barrier_id(%barrier3A)
    %scan3A_18 = arith.constant 0 : i32
    %scan3A_19 = arith.constant 128 : i32
    %scan3A_20 = arith.addi %scan3A_18, %scan3A_19 : i32
    %scan3A_21 = arith.constant 1 : i32
    scf.for %scan3A_28 = %scan3A_18 to %scan3A_20 step %scan3A_21  : i32 {
      %mul3A_29 = arith.constant 1 : i32
      %mul3A_30 = arith.muli %scan3A_28, %mul3A_29 : i32
      %add3A_31 = arith.constant 0 : i32
      %add3A_32 = arith.addi %add3A_31, %mul3A_30 : i32
      %lt3A = arith.cmpi slt, %add3A_32, %select_n3A : i32
      %convert_element_type3A = arith.extui %lt3A : i1 to i32
      %cond3A = arith.constant 0 : i32
      %cond3A_33 = arith.cmpi ne, %convert_element_type3A, %cond3A : i32
      scf.if %cond3A_33 {
        "tpu.region"() ({
          %run_scoped3A = tpu.sem_alloc : memref<!tpu.dma_semaphore, #tpu.memory_space<semaphore_mem>>
          %dma_start3A = arith.constant 0 : i32
          %dma_start3A_34 = tpu.memref_slice %arg6[%add3A_32, %dma_start3A] : memref<128x128xi32, #tpu.memory_space<vmem>> -> memref<1x128xi32, #tpu.memory_space<vmem>>
          %dma_start3A_35 = tpu.memref_squeeze %dma_start3A_34 : memref<1x128xi32, #tpu.memory_space<vmem>> -> memref<128xi32, #tpu.memory_space<vmem>>
          %dma_start3A_36 = arith.constant 0 : i32
          %dma_start3A_37 = arith.constant 0 : i32
          %dma_start3A_38 = tpu.memref_slice %arg2[%dma_start3A_36, %dma_start3A_37] : memref<10240x128xf32, #tpu.memory_space<hbm>> -> memref<10240x128xf32, #tpu.memory_space<hbm>>
          tpu.enqueue_indirect_dma source(%dma_start3A_38 : memref<10240x128xf32, #tpu.memory_space<hbm>>) target(%arg8 : memref<128x128xf32, #tpu.memory_space<vmem>>) offsets(%dma_start3A_35 : memref<128xi32, #tpu.memory_space<vmem>>) semaphore(%run_scoped3A : memref<!tpu.dma_semaphore, #tpu.memory_space<semaphore_mem>>)
          %dma_wait3A = arith.constant 0 : i32
          %dma_wait3A_39 = tpu.memref_slice %arg6[%add3A_32, %dma_wait3A] : memref<128x128xi32, #tpu.memory_space<vmem>> -> memref<1x128xi32, #tpu.memory_space<vmem>>
          %dma_wait3A_40 = tpu.memref_squeeze %dma_wait3A_39 : memref<1x128xi32, #tpu.memory_space<vmem>> -> memref<128xi32, #tpu.memory_space<vmem>>
          %dma_wait3A_41 = arith.constant 0 : i32
          %dma_wait3A_42 = arith.constant 0 : i32
          %dma_wait3A_43 = tpu.memref_slice %arg2[%dma_wait3A_41, %dma_wait3A_42] : memref<10240x128xf32, #tpu.memory_space<hbm>> -> memref<10240x128xf32, #tpu.memory_space<hbm>>
          tpu.wait_indirect_dma semaphore(%run_scoped3A : memref<!tpu.dma_semaphore, #tpu.memory_space<semaphore_mem>>) src(%dma_wait3A_43 : memref<10240x128xf32, #tpu.memory_space<hbm>>) dst(%arg8 : memref<128x128xf32, #tpu.memory_space<vmem>>)
          tpu.yield
        }) : () -> ()
        "tpu.region"() ({
          %run_scoped3A = tpu.sem_alloc : memref<!tpu.dma_semaphore, #tpu.memory_space<semaphore_mem>>
          %dma_start3A = arith.constant 0 : i32
          %dma_start3A_34 = tpu.memref_slice %arg7[%add3A_32, %dma_start3A] : memref<128x128xi32, #tpu.memory_space<vmem>> -> memref<1x128xi32, #tpu.memory_space<vmem>>
          %dma_start3A_35 = tpu.memref_squeeze %dma_start3A_34 : memref<1x128xi32, #tpu.memory_space<vmem>> -> memref<128xi32, #tpu.memory_space<vmem>>
          %dma_start3A_36 = arith.constant 0 : i32
          %dma_start3A_37 = arith.constant 0 : i32
          %dma_start3A_38 = tpu.memref_slice %arg9[%dma_start3A_36, %dma_start3A_37] : memref<10240x128xf32, #tpu.memory_space<vmem_shared>> -> memref<10240x128xf32, #tpu.memory_space<vmem_shared>>
          tpu.enqueue_indirect_dma source(%arg8 : memref<128x128xf32, #tpu.memory_space<vmem>>) target(%dma_start3A_38 : memref<10240x128xf32, #tpu.memory_space<vmem_shared>>) offsets(%dma_start3A_35 : memref<128xi32, #tpu.memory_space<vmem>>) semaphore(%run_scoped3A : memref<!tpu.dma_semaphore, #tpu.memory_space<semaphore_mem>>) {add = true}
          %dma_wait3A = arith.constant 0 : i32
          %dma_wait3A_39 = tpu.memref_slice %arg7[%add3A_32, %dma_wait3A] : memref<128x128xi32, #tpu.memory_space<vmem>> -> memref<1x128xi32, #tpu.memory_space<vmem>>
          %dma_wait3A_40 = tpu.memref_squeeze %dma_wait3A_39 : memref<1x128xi32, #tpu.memory_space<vmem>> -> memref<128xi32, #tpu.memory_space<vmem>>
          %dma_wait3A_41 = arith.constant 0 : i32
          %dma_wait3A_42 = arith.constant 0 : i32
          %dma_wait3A_43 = tpu.memref_slice %arg9[%dma_wait3A_41, %dma_wait3A_42] : memref<10240x128xf32, #tpu.memory_space<vmem_shared>> -> memref<10240x128xf32, #tpu.memory_space<vmem_shared>>
          tpu.wait_indirect_dma semaphore(%run_scoped3A : memref<!tpu.dma_semaphore, #tpu.memory_space<semaphore_mem>>) src(%arg8 : memref<128x128xf32, #tpu.memory_space<vmem>>) dst(%dma_wait3A_43 : memref<10240x128xf32, #tpu.memory_space<vmem_shared>>)
          tpu.yield
        }) : () -> ()
      } else {
      }
    }
    %scan3A_22 = arith.constant 128 : i32
    %barrier3A_23 = arith.constant 0 : index
    tpu.barrier barrier_id(%barrier3A_23)
    %mul3A_24 = arith.constant 640 : i32
    %mul3A_25 = arith.muli %arg1, %mul3A_24 : i32
    %mul3A_26 = arith.constant 640 : i32
    %mul3A_27 = arith.muli %arg1, %mul3A_26 : i32
    "tpu.region"() ({
      %run_scoped3A = tpu.sem_alloc : memref<!tpu.dma_semaphore, #tpu.memory_space<semaphore_mem>>
      %dma_start3A = arith.constant 0 : i32
      %dma_start3A_28 = tpu.memref_slice %arg5[%arg0, %mul3A_27, %dma_start3A] : memref<2x10240x128xf32, #tpu.memory_space<hbm>> -> memref<1x640x128xf32, #tpu.memory_space<hbm>>
      %dma_start3A_29 = tpu.memref_squeeze %dma_start3A_28 : memref<1x640x128xf32, #tpu.memory_space<hbm>> -> memref<640x128xf32, #tpu.memory_space<hbm>>
      %dma_start3A_30 = arith.constant 0 : i32
      %dma_start3A_31 = tpu.memref_slice %arg9[%mul3A_25, %dma_start3A_30] : memref<10240x128xf32, #tpu.memory_space<vmem_shared>> -> memref<640x128xf32, #tpu.memory_space<vmem_shared>>
      tpu.enqueue_dma source(%dma_start3A_31 : memref<640x128xf32, #tpu.memory_space<vmem_shared>>) target(%dma_start3A_29 : memref<640x128xf32, #tpu.memory_space<hbm>>) target_semaphore(%run_scoped3A : memref<!tpu.dma_semaphore, #tpu.memory_space<semaphore_mem>>)
      %dma_wait3A = arith.constant 0 : i32
      %dma_wait3A_32 = tpu.memref_slice %arg5[%arg0, %mul3A_27, %dma_wait3A] : memref<2x10240x128xf32, #tpu.memory_space<hbm>> -> memref<1x640x128xf32, #tpu.memory_space<hbm>>
      %dma_wait3A_33 = tpu.memref_squeeze %dma_wait3A_32 : memref<1x640x128xf32, #tpu.memory_space<hbm>> -> memref<640x128xf32, #tpu.memory_space<hbm>>
      %dma_wait3A_34 = arith.constant 0 : i32
      %dma_wait3A_35 = tpu.memref_slice %arg9[%mul3A_25, %dma_wait3A_34] : memref<10240x128xf32, #tpu.memory_space<vmem_shared>> -> memref<640x128xf32, #tpu.memory_space<vmem_shared>>
      tpu.wait_dma2 semaphore(%run_scoped3A : memref<!tpu.dma_semaphore, #tpu.memory_space<semaphore_mem>>) src(%dma_wait3A_35 : memref<640x128xf32, #tpu.memory_space<vmem_shared>>) dst(%dma_wait3A_33 : memref<640x128xf32, #tpu.memory_space<hbm>>)
      tpu.yield
    }) : () -> ()
    return
  }
}

module attributes {stable_mosaic.version = 14 : i64} {
  func.func @_k1_body(%arg0: i32, %arg1: memref<2048x128xf32, #tpu.memory_space<vmem>>, %arg2: memref<128x128xf32, #tpu.memory_space<vmem>>, %arg3: memref<2x2048xf32, #tpu.memory_space<vmem>>, %arg4: memref<2048x128xf32, #tpu.memory_space<vmem>>) attributes {dimension_semantics = [#tpu.dimension_semantics<arbitrary>], iteration_bounds = array<i64: 5>, scalar_prefetch = 0 : i64, scratch_operands = 0 : i64, tpu.core_type = #tpu.core_type<tc>, window_params = [{transform_indices = @transform_0, window_bounds = array<i64: 2048, 128>}, {pipeline_mode = #tpu.pipeline_mode<synchronous>, transform_indices = @transform_1, window_bounds = array<i64: 128, 128>}, {transform_indices = @transform_2, window_bounds = array<i64: 2, 2048>}, {transform_indices = @transform_3, window_bounds = array<i64: 2048, 128>}]} {
    %get3A = arith.constant 0 : index
    %get3A_0 = arith.constant 0 : index
    %get3A_1 = vector.load %arg3[%get3A, %get3A_0] : memref<2x2048xf32, #tpu.memory_space<vmem>>, vector<1x2048xf32>
    %get3A_2 = vector.shape_cast %get3A_1 : vector<1x2048xf32> to vector<2048xf32>
    %get3A_3 = arith.constant 1 : index
    %get3A_4 = arith.constant 0 : index
    %get3A_5 = vector.load %arg3[%get3A_3, %get3A_4] : memref<2x2048xf32, #tpu.memory_space<vmem>>, vector<1x2048xf32>
    %get3A_6 = vector.shape_cast %get3A_5 : vector<1x2048xf32> to vector<2048xf32>
    %add3A = arith.addf %get3A_2, %get3A_6 : vector<2048xf32>
    %add3A_7 = arith.constant 1.000000e+00 : f32
    %add3A_8 = vector.broadcast %add3A_7 : f32 to vector<2048xf32>
    %add3A_9 = arith.addf %add3A, %add3A_8 : vector<2048xf32>
    %rsqrt3A = math.rsqrt %add3A_9 : vector<2048xf32>
    %get3A_10 = arith.constant 0 : index
    %get3A_11 = arith.constant 0 : index
    %get3A_12 = vector.load %arg1[%get3A_10, %get3A_11] : memref<2048x128xf32, #tpu.memory_space<vmem>>, vector<2048x128xf32>
    %get3A_13 = arith.constant 0 : index
    %get3A_14 = arith.constant 0 : index
    %get3A_15 = vector.load %arg2[%get3A_13, %get3A_14] : memref<128x128xf32, #tpu.memory_space<vmem>>, vector<128x128xf32>
    %dot_general3A = arith.constant dense<0.000000e+00> : vector<2048x128xf32>
    %dot_general3A_16 = tpu.matmul %get3A_12, %get3A_15, %dot_general3A {dimension_numbers = #tpu.dot_dimension_numbers<[1], [0], [0], [1], [0, 0, 1, 1], [], []>, transpose_lhs_hint = false} : vector<2048x128xf32>, vector<128x128xf32>, vector<2048x128xf32> -> vector<2048x128xf32>
    %broadcast_in_dim3A = vector.shape_cast %rsqrt3A : vector<2048xf32> to vector<2048x1xf32>
    %mul3A = vector.broadcast %broadcast_in_dim3A : vector<2048x1xf32> to vector<2048x128xf32>
    %mul3A_17 = arith.mulf %dot_general3A_16, %mul3A : vector<2048x128xf32>
    %swap3A = arith.constant 0 : index
    %swap3A_18 = arith.constant 0 : index
    %swap3A_19 = vector.load %arg4[%swap3A, %swap3A_18] : memref<2048x128xf32, #tpu.memory_space<vmem>>, vector<2048x128xf32>
    tpu.vector_store %arg4[%swap3A, %swap3A_18], %mul3A_17 {strides = array<i32>} : memref<2048x128xf32, #tpu.memory_space<vmem>>, vector<2048x128xf32>,
    return
  }
  func.func @transform_0(%arg0: i32) -> (i32, i32) {
    %c0_i32 = arith.constant 0 : i32
    %c0_i32_0 = arith.constant 0 : i32
    return %arg0, %c0_i32 : i32, i32
  }
  func.func @transform_1(%arg0: i32) -> (i32, i32) {
    %c0_i32 = arith.constant 0 : i32
    %c0_i32_0 = arith.constant 0 : i32
    %c0_i32_1 = arith.constant 0 : i32
    return %c0_i32, %c0_i32_0 : i32, i32
  }
  func.func @transform_2(%arg0: i32) -> (i32, i32) {
    %c0_i32 = arith.constant 0 : i32
    %c0_i32_0 = arith.constant 0 : i32
    return %c0_i32, %arg0 : i32, i32
  }
  func.func @transform_3(%arg0: i32) -> (i32, i32) {
    %c0_i32 = arith.constant 0 : i32
    %c0_i32_0 = arith.constant 0 : i32
    return %arg0, %c0_i32 : i32, i32
  }
}

module attributes {stable_mosaic.version = 14 : i64} {
  func.func @_k2_body(%arg0: i32, %arg1: memref<2x2048x128xf32, #tpu.memory_space<vmem>>, %arg2: memref<2048x128xf32, #tpu.memory_space<vmem>>, %arg3: memref<2x2048xf32, #tpu.memory_space<vmem>>, %arg4: memref<128x128xf32, #tpu.memory_space<vmem>>, %arg5: memref<1x128xf32, #tpu.memory_space<vmem>>, %arg6: memref<2048x128xf32, #tpu.memory_space<vmem>>) attributes {dimension_semantics = [#tpu.dimension_semantics<arbitrary>], iteration_bounds = array<i64: 5>, scalar_prefetch = 0 : i64, scratch_operands = 0 : i64, tpu.core_type = #tpu.core_type<tc>, window_params = [{transform_indices = @transform_0, window_bounds = array<i64: 2, 2048, 128>}, {transform_indices = @transform_1, window_bounds = array<i64: 2048, 128>}, {transform_indices = @transform_2, window_bounds = array<i64: 2, 2048>}, {pipeline_mode = #tpu.pipeline_mode<synchronous>, transform_indices = @transform_3, window_bounds = array<i64: 128, 128>}, {pipeline_mode = #tpu.pipeline_mode<synchronous>, transform_indices = @transform_4, window_bounds = array<i64: 1, 128>}, {transform_indices = @transform_5, window_bounds = array<i64: 2048, 128>}]} {
    %get3A = arith.constant 0 : index
    %get3A_0 = arith.constant 0 : index
    %get3A_1 = vector.load %arg3[%get3A, %get3A_0] : memref<2x2048xf32, #tpu.memory_space<vmem>>, vector<1x2048xf32>
    %get3A_2 = vector.shape_cast %get3A_1 : vector<1x2048xf32> to vector<2048xf32>
    %get3A_3 = arith.constant 1 : index
    %get3A_4 = arith.constant 0 : index
    %get3A_5 = vector.load %arg3[%get3A_3, %get3A_4] : memref<2x2048xf32, #tpu.memory_space<vmem>>, vector<1x2048xf32>
    %get3A_6 = vector.shape_cast %get3A_5 : vector<1x2048xf32> to vector<2048xf32>
    %add3A = arith.addf %get3A_2, %get3A_6 : vector<2048xf32>
    %add3A_7 = arith.constant 1.000000e+00 : f32
    %add3A_8 = vector.broadcast %add3A_7 : f32 to vector<2048xf32>
    %add3A_9 = arith.addf %add3A, %add3A_8 : vector<2048xf32>
    %rsqrt3A = math.rsqrt %add3A_9 : vector<2048xf32>
    %get3A_10 = arith.constant 0 : index
    %get3A_11 = arith.constant 0 : index
    %get3A_12 = arith.constant 0 : index
    %get3A_13 = vector.load %arg1[%get3A_10, %get3A_11, %get3A_12] : memref<2x2048x128xf32, #tpu.memory_space<vmem>>, vector<1x2048x128xf32>
    %get3A_14 = vector.shape_cast %get3A_13 : vector<1x2048x128xf32> to vector<2048x128xf32>
    %get3A_15 = arith.constant 1 : index
    %get3A_16 = arith.constant 0 : index
    %get3A_17 = arith.constant 0 : index
    %get3A_18 = vector.load %arg1[%get3A_15, %get3A_16, %get3A_17] : memref<2x2048x128xf32, #tpu.memory_space<vmem>>, vector<1x2048x128xf32>
    %get3A_19 = vector.shape_cast %get3A_18 : vector<1x2048x128xf32> to vector<2048x128xf32>
    %add3A_20 = arith.addf %get3A_14, %get3A_19 : vector<2048x128xf32>
    %get3A_21 = arith.constant 0 : index
    %get3A_22 = arith.constant 0 : index
    %get3A_23 = vector.load %arg2[%get3A_21, %get3A_22] : memref<2048x128xf32, #tpu.memory_space<vmem>>, vector<2048x128xf32>
    %add3A_24 = arith.addf %add3A_20, %get3A_23 : vector<2048x128xf32>
    %broadcast_in_dim3A = vector.shape_cast %rsqrt3A : vector<2048xf32> to vector<2048x1xf32>
    %mul3A = vector.broadcast %broadcast_in_dim3A : vector<2048x1xf32> to vector<2048x128xf32>
    %mul3A_25 = arith.mulf %add3A_24, %mul3A : vector<2048x128xf32>
    %get3A_26 = arith.constant 0 : index
    %get3A_27 = arith.constant 0 : index
    %get3A_28 = vector.load %arg5[%get3A_26, %get3A_27] : memref<1x128xf32, #tpu.memory_space<vmem>>, vector<1x128xf32>
    %add3A_29 = vector.broadcast %get3A_28 : vector<1x128xf32> to vector<2048x128xf32>
    %add3A_30 = arith.addf %mul3A_25, %add3A_29 : vector<2048x128xf32>
    %max3A = arith.constant 0.000000e+00 : f32
    %max3A_31 = vector.broadcast %max3A : f32 to vector<2048x128xf32>
    %max3A_32 = arith.maximumf %add3A_30, %max3A_31 : vector<2048x128xf32>
    %get3A_33 = arith.constant 0 : index
    %get3A_34 = arith.constant 0 : index
    %get3A_35 = vector.load %arg4[%get3A_33, %get3A_34] : memref<128x128xf32, #tpu.memory_space<vmem>>, vector<128x128xf32>
    %dot_general3A = arith.constant dense<0.000000e+00> : vector<2048x128xf32>
    %dot_general3A_36 = tpu.matmul %max3A_32, %get3A_35, %dot_general3A {dimension_numbers = #tpu.dot_dimension_numbers<[1], [0], [0], [1], [0, 0, 1, 1], [], []>, transpose_lhs_hint = false} : vector<2048x128xf32>, vector<128x128xf32>, vector<2048x128xf32> -> vector<2048x128xf32>
    %broadcast_in_dim3A_37 = vector.shape_cast %rsqrt3A : vector<2048xf32> to vector<2048x1xf32>
    %mul3A_38 = vector.broadcast %broadcast_in_dim3A_37 : vector<2048x1xf32> to vector<2048x128xf32>
    %mul3A_39 = arith.mulf %dot_general3A_36, %mul3A_38 : vector<2048x128xf32>
    %swap3A = arith.constant 0 : index
    %swap3A_40 = arith.constant 0 : index
    %swap3A_41 = vector.load %arg6[%swap3A, %swap3A_40] : memref<2048x128xf32, #tpu.memory_space<vmem>>, vector<2048x128xf32>
    tpu.vector_store %arg6[%swap3A, %swap3A_40], %mul3A_39 {strides = array<i32>} : memref<2048x128xf32, #tpu.memory_space<vmem>>, vector<2048x128xf32>,
    return
  }
  func.func @transform_0(%arg0: i32) -> (i32, i32, i32) {
    %c0_i32 = arith.constant 0 : i32
    %c0_i32_0 = arith.constant 0 : i32
    %c0_i32_1 = arith.constant 0 : i32
    return %c0_i32, %arg0, %c0_i32_0 : i32, i32, i32
  }
  func.func @transform_1(%arg0: i32) -> (i32, i32) {
    %c0_i32 = arith.constant 0 : i32
    %c0_i32_0 = arith.constant 0 : i32
    return %arg0, %c0_i32 : i32, i32
  }
  func.func @transform_2(%arg0: i32) -> (i32, i32) {
    %c0_i32 = arith.constant 0 : i32
    %c0_i32_0 = arith.constant 0 : i32
    return %c0_i32, %arg0 : i32, i32
  }
  func.func @transform_3(%arg0: i32) -> (i32, i32) {
    %c0_i32 = arith.constant 0 : i32
    %c0_i32_0 = arith.constant 0 : i32
    %c0_i32_1 = arith.constant 0 : i32
    return %c0_i32, %c0_i32_0 : i32, i32
  }
  func.func @transform_4(%arg0: i32) -> (i32, i32) {
    %c0_i32 = arith.constant 0 : i32
    %c0_i32_0 = arith.constant 0 : i32
    %c0_i32_1 = arith.constant 0 : i32
    return %c0_i32, %c0_i32_0 : i32, i32
  }
  func.func @transform_5(%arg0: i32) -> (i32, i32) {
    %c0_i32 = arith.constant 0 : i32
    %c0_i32_0 = arith.constant 0 : i32
    return %arg0, %c0_i32 : i32, i32
  }
}

module attributes {stable_mosaic.version = 14 : i64} {
  func.func @_k3_body(%arg0: i32, %arg1: memref<2x2048x128xf32, #tpu.memory_space<vmem>>, %arg2: memref<2048x128xf32, #tpu.memory_space<vmem>>, %arg3: memref<2x2048xf32, #tpu.memory_space<vmem>>, %arg4: memref<1x64xf32, #tpu.memory_space<vmem>>, %arg5: memref<2048x64xf32, #tpu.memory_space<vmem>>) attributes {dimension_semantics = [#tpu.dimension_semantics<arbitrary>], iteration_bounds = array<i64: 5>, scalar_prefetch = 0 : i64, scratch_operands = 0 : i64, tpu.core_type = #tpu.core_type<tc>, window_params = [{transform_indices = @transform_0, window_bounds = array<i64: 2, 2048, 128>}, {transform_indices = @transform_1, window_bounds = array<i64: 2048, 128>}, {transform_indices = @transform_2, window_bounds = array<i64: 2, 2048>}, {pipeline_mode = #tpu.pipeline_mode<synchronous>, transform_indices = @transform_3, window_bounds = array<i64: 1, 64>}, {transform_indices = @transform_4, window_bounds = array<i64: 2048, 64>}]} {
    %get3A = arith.constant 0 : index
    %get3A_0 = arith.constant 0 : index
    %get3A_1 = vector.load %arg3[%get3A, %get3A_0] : memref<2x2048xf32, #tpu.memory_space<vmem>>, vector<1x2048xf32>
    %get3A_2 = vector.shape_cast %get3A_1 : vector<1x2048xf32> to vector<2048xf32>
    %get3A_3 = arith.constant 1 : index
    %get3A_4 = arith.constant 0 : index
    %get3A_5 = vector.load %arg3[%get3A_3, %get3A_4] : memref<2x2048xf32, #tpu.memory_space<vmem>>, vector<1x2048xf32>
    %get3A_6 = vector.shape_cast %get3A_5 : vector<1x2048xf32> to vector<2048xf32>
    %add3A = arith.addf %get3A_2, %get3A_6 : vector<2048xf32>
    %add3A_7 = arith.constant 1.000000e+00 : f32
    %add3A_8 = vector.broadcast %add3A_7 : f32 to vector<2048xf32>
    %add3A_9 = arith.addf %add3A, %add3A_8 : vector<2048xf32>
    %rsqrt3A = math.rsqrt %add3A_9 : vector<2048xf32>
    %get3A_10 = arith.constant 0 : index
    %get3A_11 = arith.constant 0 : index
    %get3A_12 = arith.constant 0 : index
    %get3A_13 = vector.load %arg1[%get3A_10, %get3A_11, %get3A_12] : memref<2x2048x128xf32, #tpu.memory_space<vmem>>, vector<1x2048x128xf32>
    %get3A_14 = vector.shape_cast %get3A_13 : vector<1x2048x128xf32> to vector<2048x128xf32>
    %get3A_15 = arith.constant 1 : index
    %get3A_16 = arith.constant 0 : index
    %get3A_17 = arith.constant 0 : index
    %get3A_18 = vector.load %arg1[%get3A_15, %get3A_16, %get3A_17] : memref<2x2048x128xf32, #tpu.memory_space<vmem>>, vector<1x2048x128xf32>
    %get3A_19 = vector.shape_cast %get3A_18 : vector<1x2048x128xf32> to vector<2048x128xf32>
    %add3A_20 = arith.addf %get3A_14, %get3A_19 : vector<2048x128xf32>
    %get3A_21 = arith.constant 0 : index
    %get3A_22 = arith.constant 0 : index
    %get3A_23 = vector.load %arg2[%get3A_21, %get3A_22] : memref<2048x128xf32, #tpu.memory_space<vmem>>, vector<2048x128xf32>
    %add3A_24 = arith.addf %add3A_20, %get3A_23 : vector<2048x128xf32>
    %broadcast_in_dim3A = vector.shape_cast %rsqrt3A : vector<2048xf32> to vector<2048x1xf32>
    %mul3A = vector.broadcast %broadcast_in_dim3A : vector<2048x1xf32> to vector<2048x128xf32>
    %mul3A_25 = arith.mulf %add3A_24, %mul3A : vector<2048x128xf32>
    %slice3A = vector.extract_strided_slice %mul3A_25 {offsets = [0, 0], sizes = [2048, 64], strides = [1, 1]} : vector<2048x128xf32> to vector<2048x64xf32>
    %get3A_26 = arith.constant 0 : index
    %get3A_27 = arith.constant 0 : index
    %get3A_28 = vector.load %arg4[%get3A_26, %get3A_27] : memref<1x64xf32, #tpu.memory_space<vmem>>, vector<1x64xf32>
    %add3A_29 = vector.broadcast %get3A_28 : vector<1x64xf32> to vector<2048x64xf32>
    %add3A_30 = arith.addf %slice3A, %add3A_29 : vector<2048x64xf32>
    %swap3A = arith.constant 0 : index
    %swap3A_31 = arith.constant 0 : index
    %swap3A_32 = vector.load %arg5[%swap3A, %swap3A_31] : memref<2048x64xf32, #tpu.memory_space<vmem>>, vector<2048x64xf32>
    tpu.vector_store %arg5[%swap3A, %swap3A_31], %add3A_30 {strides = array<i32>} : memref<2048x64xf32, #tpu.memory_space<vmem>>, vector<2048x64xf32>,
    return
  }
  func.func @transform_0(%arg0: i32) -> (i32, i32, i32) {
    %c0_i32 = arith.constant 0 : i32
    %c0_i32_0 = arith.constant 0 : i32
    %c0_i32_1 = arith.constant 0 : i32
    return %c0_i32, %arg0, %c0_i32_0 : i32, i32, i32
  }
  func.func @transform_1(%arg0: i32) -> (i32, i32) {
    %c0_i32 = arith.constant 0 : i32
    %c0_i32_0 = arith.constant 0 : i32
    return %arg0, %c0_i32 : i32, i32
  }
  func.func @transform_2(%arg0: i32) -> (i32, i32) {
    %c0_i32 = arith.constant 0 : i32
    %c0_i32_0 = arith.constant 0 : i32
    return %c0_i32, %arg0 : i32, i32
  }
  func.func @transform_3(%arg0: i32) -> (i32, i32) {
    %c0_i32 = arith.constant 0 : i32
    %c0_i32_0 = arith.constant 0 : i32
    %c0_i32_1 = arith.constant 0 : i32
    return %c0_i32, %c0_i32_0 : i32, i32
  }
  func.func @transform_4(%arg0: i32) -> (i32, i32) {
    %c0_i32 = arith.constant 0 : i32
    %c0_i32_0 = arith.constant 0 : i32
    return %arg0, %c0_i32 : i32, i32
  }
}

</mosaic_0001>

<sc_bundles>
// kernel: _run.11.cloned.1.call-start
scs
__scs_entry_jumppad:
0x0: {  	(pc) =	sbr.rel $0x88, $3  }
0x1: {  	(tag) =	ssettag $0x0;
	lr =	simm.s32 $0x1  }
0x2: {  	[smem:$0x3F9B] =	sst lr;
	_ =	strace $0xD0000000  }
0x3: {  	_ = 	snop  }
0x4: {  	_ = 	snop  }
0x5: {  	_ = 	snop  }
0x6: {  	_ = 	snop  }
0x7: {  	_ = 	snop  }
__scs_overlays_trampoline_lowered:
0x8: {  	[smem:$0x3FAA] =	sst s0  }
0x9: {  	[smem:$0x3FAB] =	sst s1  }
0xa: {  	[smem:$0x3FAC] =	sst s2  }
0xb: {  	[smem:$0x3FAD] =	sst s3  }
0xc: {  	[smem:$0x3FAE] =	sst s4  }
0xd: {  	[smem:$0x3FAF] =	sst s5  }
0xe: {  	[smem:$0x3FB0] =	sst s6  }
0xf: {  	[smem:$0x3FB1] =	sst s7  }
0x10: {  	[smem:$0x3FB2] =	sst s8  }
0x11: {  	[smem:$0x3FB3] =	sst s9;
	s0 =	simm.s32 @!p0 $0x0  }
0x12: {  	s1 =	sld [smem:$0x3F99];
	s0 =	simm.s32 @p0 $0x1  }
0x13: {  	[smem:$0x3FB4] =	sst s0;
	s0 =	simm.s32 @!p1 $0x0  }
0x14: {  	s2 =	sld [smem:$0x3F98];
	s0 =	simm.s32 @p1 $0x1  }
0x15: {  	[smem:$0x3FB5] =	sst s0;
	s0 =	simm.s32 @!p2 $0x0  }
0x16: {  	s3 =	sld [smem:$0x3FDB];
	s0 =	simm.s32 @p2 $0x1  }
0x17: {  	s4 =	simm.s32 $0x1BF5;
	[smem:$0x3FB7] =	sst s0  }
0x18: {  	s0 =	sld [smem:$0x3F9A];
	_ =	swait.ge [sflag:s4], $0x0  }
0x19: {  	s7 =	sld [smem:$0x3F9B]  }
0x1a: {  	s8 =	sadd.s32 $0xFFFFE003, lr  }
0x1b: {  	s9 =	sadd.s32 $0xFFFFFEF7, lr;
	s5 =	simm.s32 $0xFFFFFFFF;
	p2 =	slt.u32 s8, $0xFFFFF086  }
0x1c: {  	p1 =	slt.u32 s9, $0xF7A;
	s5 =	simm.s32 @!p2 $0x0  }
0x1d: {  	s5 =	simm.s32 @p1 $0x1;
	p0 =	seq.s32 s7, s2  }
0x1e: {  	s7 =	smul.u32 @!p0 $0xF7A, s2;
	p2 =	seq.s32 @!p0 s5, $0x0  }
0x1f: {  	s9 =	smul.u32 $0xF7A, s1;
	s8 =	simm.s32 @!p0 $0x1BF5;
	p2 =	por !p2, p0  }
0x20: {  	[sflag:s8] =	ssyncset.s32 @!p0 $0xFFFFF086;
	s6 =	sadd.s32 @!p0 s3, s7;
	s7 =	simm.s32 @!p0 $0x108  }
0x21: {  	s3 =	sadd.s32 s3, s9;
	s6 =	sadd.s32 @!p0 $0x88, s6;
	s7 =	simm.s32 @p2 $0x1082  }
0x22: {  	[simem:s7], [sflag:s8] =	dma.local @!p0 [hbm:s6], $0xF7A  }
0x23: {  	s9 =	sor.u32 $0xD0000000, s2;
	s6 =	simm.s32 $0x108;
	_ =	swait.ge @!p0 [sflag:s8], $0x0  }
0x24: {  	s3 =	sadd.s32 $0x88, s3;
	s6 =	simm.s32 @!p1 $0x1082;
	[sflag:s4] =	ssyncset.s32 $0xFFFFF086  }
0x25: {  	[simem:s6], [sflag:s4] =	dma.local [hbm:s3], $0xF7A  }
0x26: {  	[smem:$0x3F9B] =	sst s1;
	(tag) =	ssettag s2;
	_ =	strace s9  }
0x27: {  	s1 =	sld [smem:$0x3FAB]  }
0x28: {  	s2 =	sld [smem:$0x3FAC]  }
0x29: {  	s4 =	sld [smem:$0x3FAE]  }
0x2a: {  	p0 =	seq.s32 s5, $0x0;
	s5 =	sld [smem:$0x3FAF]  }
0x2b: {  	s6 =	sld [smem:$0x3FB0]  }
0x2c: {  	s7 =	sld [smem:$0x3FB1]  }
0x2d: {  	s3 =	simm.s32 $0x108;
	s8 =	sld [smem:$0x3FB2]  }
0x2e: {  	s3 =	simm.s32 @!p0 $0x1082;
	s9 =	sld [smem:$0x3FB3]  }
0x2f: {  	lr =	sadd.s32 s0, s3;
	s0 =	sld [smem:$0x3FAA]  }
0x30: {  	s3 =	sld [smem:$0x3FAD]  }
0x31: {  	[smem:$0x3FB6] =	sst s10  }
0x32: {  	s10 =	sld [smem:$0x3FB4];
	_ =	sdelay $0x3  }
0x33: {  	p0 =	seq.s32 s10, $0x1;
	s10 =	sld [smem:$0x3FB6];
	_ =	sdelay $0x3  }
0x34: {  	[smem:$0x3FB6] =	sst s10  }
0x35: {  	s10 =	sld [smem:$0x3FB5];
	_ =	sdelay $0x3  }
0x36: {  	p1 =	seq.s32 s10, $0x1;
	s10 =	sld [smem:$0x3FB6];
	_ =	sdelay $0x3  }
0x37: {  	[smem:$0x3FB6] =	sst s10  }
0x38: {  	s10 =	sld [smem:$0x3FB7]  }
0x39: {  	_ = 	snop;
	(pc) =	sbr.ind lr, $3  }
0x3a: {  	_ = 	snop  }
0x3b: {  	_ = 	snop  }
0x3c: {  	p2 =	seq.s32 s10, $0x1;
	s10 =	sld [smem:$0x3FB6]  }
0x3d: {  	_ =	shalt  }
0x3e: {  	_ =	shalt  }
0x3f: {  	_ =	shalt  }
0x40: {  	_ =	shalt  }
0x41: {  	_ =	shalt  }
0x42: {  	_ =	shalt  }
0x43: {  	_ =	shalt  }
0x44: {  	_ =	shalt  }
0x45: {  	_ =	shalt  }
0x46: {  	_ =	shalt  }
0x47: {  	_ =	shalt  }
0x48: {  	_ =	shalt  }
0x49: {  	_ =	shalt  }
0x4a: {  	_ =	shalt  }
0x4b: {  	_ =	shalt  }
0x4c: {  	_ =	shalt  }
0x4d: {  	_ =	shalt  }
0x4e: {  	_ =	shalt  }
0x4f: {  	_ =	shalt  }
0x50: {  	_ =	shalt  }
0x51: {  	_ =	shalt  }
0x52: {  	_ =	shalt  }
0x53: {  	_ =	shalt  }
0x54: {  	_ =	shalt  }
0x55: {  	_ =	shalt  }
0x56: {  	_ =	shalt  }
0x57: {  	_ =	shalt  }
0x58: {  	_ =	shalt  }
0x59: {  	_ =	shalt  }
0x5a: {  	_ =	shalt  }
0x5b: {  	_ =	shalt  }
0x5c: {  	_ =	shalt  }
0x5d: {  	_ =	shalt  }
0x5e: {  	_ =	shalt  }
0x5f: {  	_ =	shalt  }
0x60: {  	_ =	shalt  }
0x61: {  	_ =	shalt  }
0x62: {  	_ =	shalt  }
0x63: {  	_ =	shalt  }
0x64: {  	_ =	shalt  }
0x65: {  	_ =	shalt  }
0x66: {  	_ =	shalt  }
0x67: {  	_ =	shalt  }
0x68: {  	_ =	shalt  }
0x69: {  	_ =	shalt  }
0x6a: {  	_ =	shalt  }
0x6b: {  	_ =	shalt  }
0x6c: {  	_ =	shalt  }
0x6d: {  	_ =	shalt  }
0x6e: {  	_ =	shalt  }
0x6f: {  	_ =	shalt  }
0x70: {  	_ =	shalt  }
0x71: {  	_ =	shalt  }
0x72: {  	_ =	shalt  }
0x73: {  	_ =	shalt  }
0x74: {  	_ =	shalt  }
0x75: {  	_ =	shalt  }
0x76: {  	_ =	shalt  }
0x77: {  	_ =	shalt  }
0x78: {  	_ =	shalt  }
0x79: {  	_ =	shalt  }
0x7a: {  	_ =	shalt  }
0x7b: {  	_ =	shalt  }
0x7c: {  	_ =	shalt  }
0x7d: {  	_ =	shalt  }
0x7e: {  	_ =	shalt  }
0x7f: {  	_ =	shalt  }
0x80: {  	_ =	shalt  }
0x81: {  	_ =	shalt  }
0x82: {  	_ =	shalt  }
0x83: {  	_ =	shalt  }
0x84: {  	_ =	shalt  }
0x85: {  	_ =	shalt  }
0x86: {  	_ =	shalt  }
0x87: {  	_ =	shalt  }
.Lfunc_end0:
.L_simem_size_0:
called_computation.1_lowered:
.L_overlay_start_0:
0x88: {  	s2 =	sld [smem:$0x3FD9]  }
0x89: {  	s3 =	sld [smem:$0x3FFE];
	_ =	sdelay $0x1  }
0x8a: {  	s1 =	srdreg.scid  }
0x8b: {  	s0 =	sand.u32 $0x1, s1  }
0x8c: {  	s17 =	sshll.u32 s0, $0xA;
	s2 =	sadd.s32 s3, s2  }
0x8d: {  	s2 =	sadd.s32 s2, s17  }
0x8e: {  	[smem:$0x3FC2] =	sst s2  }
0x8f: {  	_ = 	snop  }
0x90: {  	s2 =	sld [smem:$0x3FD0];
	(tm) =	ssettm $0x1  }
0x91: {  	s18 =	sld [smem:$0x3FFB];
	_ =	sdelay $0x3  }
0x92: {  	_ =	strace s18  }
0x93: {  	s3 =	sld [smem:$0x3FFC];
	_ =	sdelay $0x3  }
0x94: {  	_ =	strace s3  }
0x95: {  	s3 =	sld [smem:$0x3FFD];
	_ =	sdelay $0x3  }
0x96: {  	_ =	strace s3  }
0x97: {  	_ =	strace $0x8FFFFFFF  }
0x98: {  	s19 =	sld [smem:$0x3FDB];
	_ =	sdelay $0x1  }
0x99: {  	s4 =	simm.s32 $_scs_section_size  }
0x9a: {  	s5 =	simm.s32 $_size__tile_overlayer_lowered;
	s6 =	simm.s32 $_tile_overlayer_lowered  }
0x9b: {  	s22 =	simm.s32 $0x1BFF;
	s21 =	sshll.u32 s6, $0x1;
	s3 =	sadd.s32 s4, s19  }
0x9c: {  	s7 =	simm.s32 $0x0;
	s20 =	sshll.u32 s5, $0x1;
	s5 =	sadd.s32 s21, s3  }
0x9d: {  	[timem:s7], [sflag:s22] =	dma.local [hbm:s5], s20  }
0x9e: {  	_ =	swait.ge [sflag:s22], s20  }
0x9f: {  	s4 =	ssub.s32 $0x0, s20;
	[sflag:s22] =	ssyncset.done $0x0  }
0xa0: {  	[sflag:s22] =	ssyncadd.s32 s4;
	_ =	sdelay $0x1  }
0xa1: {  	s23 =	simm.s32 $0x1B8B  }
0xa2: {  	_ =	swait.ge [sflag:s23], $0x1  }
0xa3: {  	[sflag:s23] =	ssyncset.done $0x0  }
0xa4: {  	s25 =	simm.s32 $0x1B8E;
	s24 =	sld [smem:$0x3FFE];
	[sflag:s23] =	ssyncadd.s32 $0xFFFFFFFF  }
0xa5: {  	s26 =	simm.s32 $execute0_lowered;
	[smem:$0x3FD2] =	sst s25  }
0xa6: {  	s5 =	sshll.u32 s26, $0x1;
	_ =	strace $0x80000049;
	[dreg:$0x1] =	wrdreg $0xFFFFFFFF  }
0xa7: {  	s28 =	simm.s32 $_size_execute0_lowered;
	s3 =	sadd.s32 s3, s5;
	[dreg:$0x0] =	wrdreg $0x0  }
0xa8: {  	s5 =	sshll.u32 s28, $0x1;
	[dreg:$0x2] =	wrdreg s3  }
0xa9: {  	[dreg:$0x3] =	wrdreg s5  }
0xaa: {  	[dreg:$0x4] =	wrdreg $0xC0  }
0xab: {  	_ =	task [dreg:s7], $0x5FFFF  }
0xac: {  	[dreg:$0x1] =	wrdreg $0xFFFFFFFF  }
0xad: {  	[dreg:$0x0] =	wrdreg $0x60  }
0xae: {  	[dreg:$0x2] =	wrdreg s24  }
0xaf: {  	[dreg:$0x3] =	wrdreg s2  }
0xb0: {  	[dreg:$0x4] =	wrdreg $0xC0000  }
0xb1: {  	[dreg:$0x5] =	wrdreg $0x9  }
0xb2: {  	_ =	task.clear_ibuf [dreg:s7], $0x6FFFF;
	_ =	strace $0x90000049  }
0xb3: {  	s29 =	simm.s32 $0x9;
	_ =	strace $0x8000004B  }
0xb4: {  	_ =	swait.ge [sflag:s29], $0x1  }
0xb5: {  	[sflag:s29] =	ssyncadd.s32 $0xFFFFFFFF  }
0xb6: {  	_ =	strace $0x9000004B  }
0xb7: {  	_ =	sfence  }
0xb8: {  	s30 =	sld [smem:$0x0];
	_ =	sdelay $0x2  }
0xb9: {  	s31 =	sshll.u32 s1, $0xD;
	s1 =	sshrl.u32 s1, $0x2  }
0xba: {  	s3 =	sand.u32 $0x4000, s31;
	s1 =	sadd.s32 s1, s30  }
0xbb: {  	s0 =	sor.u32 s3, s0;
	s1 =	sshll.u32 s1, $0x11  }
0xbc: {  	s0 =	sor.u32 s1, s0  }
0xbd: {  	s0 =	sadd.s32 $0x8F2B, s0  }
0xbe: {  	[sflag:s0] =	ssyncadd.remote.s32 $0x1  }
0xbf: {  	_ =	sfence.sel $0xFFFF  }
0xc0: {  	[dreg:$0x0] =	wrdreg $0xFFFFFFFF;
	(pc) =	sbr.abs _section_cstart, $3  }
0xc1: {  	[dreg:$0x1] =	wrdreg $0xFFFFFFFF  }
0xc2: {  	_ =	task.clear_ibuf [dreg:s7], $0x2FFFF;
	_ =	strace $0x9FFFFFFF  }
0xc3: {  	(tm) =	ssettm $0x7FFFFFFF  }
tec
execute0_lowered:
.L_overlay_start_1:
0x0: {  	(tag) =	ssettag $0x1  }
0x1: {  	s5 =	rddreg [dreg:$0x0]  }
0x2: {  	s6 =	rddreg [dreg:$0x1]  }
0x3: {  	s1 =	rddreg [dreg:$0x2]  }
0x4: {  	s0 =	rddreg [dreg:$0x3];
	s3 =	simm.s32 $0x0  }
0x5: {  	s4 =	srdreg.scid;
	s2 =	stileid.u32;
	s15 =	simm.s32 $0x1  }
0x6: {  	s16 =	simm.s32 $0x4000;
	s17 =	simm.s32 $0x8000;
	s19 =	simm.s32 $0x0  }
0x7: {  	[smem:$0x7FF] =	sst s3;
	s7 =	sand.u32 $0x1, s4;
	s28 =	sshll.u32 s2, $0x9  }
0x8: {  	s9 =	sshll.u32 s2, $0xB;
	s11 =	smul.u32 $0x14000, s2;
	s4 =	sadd.s32 $0xD200, s5  }
0x9: {  	s29 =	smul.u32 $0x50000, s2;
	s18 =	sshll.u32 s2, $0x6;
	p0 =	seq.s32 s7, $0x0  }
0xa: {  	s8 =	smul.u32 $0x140000, s7;
	s10 =	sor.u32 $0x8000, s28;
	_ =	strace $0x8000004A  }
0xb: {  	s7 =	ssub.s32 $0x2, s7;
	s18 =	sor.u32 $0x1C01, s18;
	s10 =	smov.u32 @p0 s9  }
0xc: {  	s30 =	sshrl.u32 s7, $0x1;
	s31 =	sshrl.u32 s29, $0x2;
	s9 =	sadd.s32 s10, s5  }
0xd: {  	s8 =	sadd.s32 s11, s8;
	s13 =	ssub.s32 s7, s30;
	s6 =	sadd.s32 s6, s10  }
0xe: {  	s8 =	sshrl.u32 s8, $0x3;
	s7 =	sadd.s32 $0x2A00, s9;
	s10 =	smax.u32 s13, $0x1  }
0xf: {  	s12 =	sadd.s32 s8, s5;
	s5 =	simm.s32 $0x80;
	s8 =	sadd.s32 s31, s1  }
0x10: {  	s5 =	simm.s32 @!p0 $0x20;
	s9 =	sadd.s32 $0x35200, s12;
	s11 =	sadd.s32 $0x4000, s8  }
0x11: {  	v0 =	vimm.f32 $0.0e+00;
	s12 =	sadd.s32 $0x8000, s8;
	s13 =	sadd.s32 $0xC000, s8;
	s14 =	sadd.s32 $0x10000, s8  }
.LBB2_1:
0x12: {  	[tilespmem:s3], [sflag:$0x1] =	stream.linear.gather [hbm4b:s6+s3], $0x4000, $0x38;
	v63 =	vld [tilespmem:$0x0]  }
0x13: {  	_ =	swait.ge [sflag:s15], $0x4000  }
0x14: {  	[sflag:s15] =	ssyncset.done $0x0  }
0x15: {  	[sflag:s15] =	ssyncadd.s32 $0xFFFFC000  }
0x16: {  	[tilespmem:s16], [sflag:$0x1] =	stream.linear.gather [hbm4b:s7+s3], $0x4000, $0x38;
	v63 =	vld [tilespmem:$0x0]  }
0x17: {  	_ =	swait.ge [sflag:s15], $0x4000  }
0x18: {  	[sflag:s15] =	ssyncset.done $0x0  }
0x19: {  	s20 =	simm.s32 $0x0;
	s21 =	simm.s32 $0x200;
	[sflag:s15] =	ssyncadd.s32 $0xFFFFC000  }
.LBB2_2:
0x1a: {  	p0 =	sne.s32 s21, $0xFE00;
	[tilespmem:s20+$0x8070] =	vst v0  }
0x1b: {  	[tilespmem:s20+$0x8000] =	vst v0  }
0x1c: {  	[tilespmem:s20+$0x8010] =	vst v0  }
.Ltmp0:
0x1d: {  	[tilespmem:s20+$0x8020] =	vst v0;
	(pc) =	sbr.rel @p0 .LBB2_2-.Ltmp0, $4  }
0x1e: {  	[tilespmem:s20+$0x8030] =	vst v0  }
0x1f: {  	[tilespmem:s20+$0x8040] =	vst v0  }
0x20: {  	[tilespmem:s20+$0x8050] =	vst v0  }
0x21: {  	[tilespmem:s20+$0x8060] =	vst v0;
	s20 =	sshra.s32 s21, $0x2;
	s21 =	sadd.s32 $0x200, s21  }
0x22: {  	[tilespmem:s20+$0x8070] =	vst v0  }
0x23: {  	[tilespmem:s20+$0x8000] =	vst v0  }
0x24: {  	[tilespmem:s20+$0x8010] =	vst v0  }
0x25: {  	[tilespmem:s20+$0x8020] =	vst v0  }
0x26: {  	[tilespmem:s20+$0x8030] =	vst v0  }
0x27: {  	[tilespmem:s20+$0x8040] =	vst v0  }
0x28: {  	[tilespmem:s20+$0x8050] =	vst v0  }
0x29: {  	[tilespmem:s20+$0x8060] =	vst v0  }
0x2a: {  	[spmem:s8] =	stream.linear.scatter [tilespmem:s17], [sflag:$0x1], $0x4000, $0x38;
	v63 =	vld [tilespmem:$0x0]  }
0x2b: {  	_ =	swait.ge [sflag:s15], $0x4000  }
0x2c: {  	[sflag:s15] =	ssyncset.done $0x0  }
0x2d: {  	[sflag:s15] =	ssyncadd.s32 $0xFFFFC000  }
0x2e: {  	[spmem:s11] =	stream.linear.scatter [tilespmem:s17], [sflag:$0x1], $0x4000, $0x38;
	v63 =	vld [tilespmem:$0x0]  }
0x2f: {  	_ =	swait.ge [sflag:s15], $0x4000  }
0x30: {  	[sflag:s15] =	ssyncset.done $0x0  }
0x31: {  	[sflag:s15] =	ssyncadd.s32 $0xFFFFC000  }
0x32: {  	[spmem:s12] =	stream.linear.scatter [tilespmem:s17], [sflag:$0x1], $0x4000, $0x38;
	v63 =	vld [tilespmem:$0x0]  }
0x33: {  	_ =	swait.ge [sflag:s15], $0x4000  }
0x34: {  	[sflag:s15] =	ssyncset.done $0x0  }
0x35: {  	[sflag:s15] =	ssyncadd.s32 $0xFFFFC000  }
0x36: {  	[spmem:s13] =	stream.linear.scatter [tilespmem:s17], [sflag:$0x1], $0x4000, $0x38;
	v63 =	vld [tilespmem:$0x0]  }
0x37: {  	_ =	swait.ge [sflag:s15], $0x4000  }
0x38: {  	[sflag:s15] =	ssyncset.done $0x0  }
0x39: {  	[sflag:s15] =	ssyncadd.s32 $0xFFFFC000  }
0x3a: {  	[spmem:s14] =	stream.linear.scatter [tilespmem:s17], [sflag:$0x1], $0x4000, $0x38;
	v63 =	vld [tilespmem:$0x0]  }
0x3b: {  	_ =	swait.ge [sflag:s15], $0x4000  }
0x3c: {  	p0 =	sle.u32 s5, $0x0;
	[sflag:s15] =	ssyncset.done $0x0  }
0x3d: {  	s20 =	simm.s32 $0x0;
	s21 =	simm.s32 @!p0 $0x80;
	[sflag:s15] =	ssyncadd.s32 $0xFFFFC000  }
0x3e: {  	s22 =	simm.s32 @!p0 $0x8000;
	s23 =	simm.s32 @!p0 $0x2;
	[bflag:$0x0] =	sbarrier.arrive $0xFFFF  }
0x3f: {  	[tilespmem:s22], [sflag:$0x2] =	stream.indirect.gather @!p0 [hbm4b:s4+s21], $0x80, s20, s21, $0xb8;
	v63 =	vld [tilespmem:$0x0]  }
0x40: {  	_ =	swait.ge @!p0 [sflag:s23], $0x4000  }
0x41: {  	[sflag:s23] =	ssyncset.done @!p0 $0x0;
	p0 =	por p0, p0  }
0x42: {  	s20 =	simm.s32 $0x4000;
	[sflag:s23] =	ssyncadd.s32 @!p0 $0xFFFFC000  }
0x43: {  	[spmem:s1] =	stream.indirect.scatter.add.f32 @!p0 [tilespmem:s22], [sflag:$0x1], $0x80, s20, s21, $0xb8;
	v63 =	vld [tilespmem:$0x0]  }
0x44: {  	p1 =	sle.u32 s5, $0x1;
	s23 =	simm.s32 @!p0 $0x1;
	s22 =	simm.s32 $0x2  }
0x45: {  	s20 =	simm.s32 $0x4080;
	s21 =	simm.s32 $0x80;
	_ =	swait.ge @!p0 [sflag:s23], $0x4000  }
.LBB2_4:
0x46: {  	s24 =	simm.s32 @!p1 $0x80;
	s25 =	simm.s32 @!p1 $0x8000;
	[sflag:s23] =	ssyncset.done @!p0 $0x0  }
0x47: {  	s26 =	smov.u32 s22;
	s28 =	smov.u32 s20;
	s22 =	sadd.s32 $0x1, s22  }
0x48: {  	s29 =	simm.s32 @!p1 $0x2;
	[sflag:s23] =	ssyncadd.s32 @!p0 $0xFFFFC000;
	p2 =	sne.s32 s22, $0x80  }
0x49: {  	[tilespmem:s25], [sflag:$0x2] =	stream.indirect.gather @!p1 [hbm4b:s4+s24], $0x80, s21, s24, $0xb8;
	v63 =	vld [tilespmem:$0x0]  }
.Ltmp1:
0x4a: {  	_ =	swait.ge @!p1 [sflag:s29], $0x4000;
	(pc) =	sbr.rel @p2 .LBB2_4-.Ltmp1, $4  }
0x4b: {  	p0 =	por p1, p1;
	[sflag:s29] =	ssyncset.done @!p1 $0x0  }
0x4c: {  	s20 =	sadd.s32 $0x80, s20;
	s23 =	simm.s32 @!p0 $0x1;
	[sflag:s29] =	ssyncadd.s32 @!p0 $0xFFFFC000  }
0x4d: {  	[spmem:s1] =	stream.indirect.scatter.add.f32 @!p0 [tilespmem:s25], [sflag:$0x1], $0x80, s28, s24, $0xb8;
	v63 =	vld [tilespmem:$0x0]  }
0x4e: {  	s21 =	sadd.s32 $0x80, s21;
	p1 =	sge.u32 s26, s5;
	_ =	swait.ge @!p0 [sflag:s23], $0x4000  }
0x4f: {  	s22 =	simm.s32 @!p1 $0x80;
	[sflag:s23] =	ssyncset.done @!p0 $0x0  }
0x50: {  	s24 =	simm.s32 @!p1 $0x8000;
	s25 =	simm.s32 @!p1 $0x2;
	[sflag:s23] =	ssyncadd.s32 @!p0 $0xFFFFC000  }
0x51: {  	[tilespmem:s24], [sflag:$0x2] =	stream.indirect.gather @!p1 [hbm4b:s4+s22], $0x80, s21, s22, $0xb8;
	v63 =	vld [tilespmem:$0x0]  }
0x52: {  	_ =	swait.ge @!p1 [sflag:s25], $0x4000  }
0x53: {  	p0 =	por p1, p1;
	[sflag:s25] =	ssyncset.done @!p1 $0x0  }
0x54: {  	s21 =	simm.s32 @!p0 $0x1;
	[sflag:s25] =	ssyncadd.s32 @!p0 $0xFFFFC000  }
0x55: {  	[spmem:s1] =	stream.indirect.scatter.add.f32 @!p0 [tilespmem:s24], [sflag:$0x1], $0x80, s20, s22, $0xb8;
	v63 =	vld [tilespmem:$0x0]  }
0x56: {  	_ =	swait.ge @!p0 [sflag:s21], $0x4000  }
0x57: {  	s19 =	sadd.s32 $0x1, s19;
	[sflag:s21] =	ssyncset.done @!p0 $0x0  }
0x58: {  	[sflag:s21] =	ssyncadd.s32 @!p0 $0xFFFFC000;
	p0 =	sne.s32 s19, s10  }
.Ltmp2:
0x59: {  	s31 =	sshrl.u32 s8, $0x3;
	[bflag:$0x0] =	sbarrier.arrive $0xFFFF;
	(pc) =	sbr.rel @p0 .LBB2_1-.Ltmp2, $4  }
0x5a: {  	[hbm:s9], [sflag:s18] =	dma.local [spmem:s31], $0x2800  }
0x5b: {  	_ =	swait.ge [sflag:s15], $0x2800  }
0x5c: {  	[sflag:s15] =	ssyncset.done $0x0  }
0x5d: {  	[sflag:s15] =	ssyncadd.s32 $0xFFFFD800  }
0x5e: {  	_ =	sfence.sel $0x180000  }
0x5f: {  	[bflag:$0x0] =	sbarrier.arrive $0xFFFF  }
0x60: {  	p0 =	sne.s32 s2, $0x0;
	_ =	strace $0x9000004A  }
0x61: {  	s0 =	sadd.s32 @!p0 $0x100000, s0;
	[bflag:$0x2] =	sbarrier.arrive $0xFFFF  }
0x62: {  	[sflag:s0] =	ssyncadd.tile.s32 @!p0 $0x1;
	_ =	shalt  }
.Lfunc_end2:
_tile_overlayer_lowered:
.L_overlay_start_2:
0x63: {  	(tag) =	ssettag $0x2  }
0x64: {  	s0 =	rddreg [dreg:$0x0];
	s2 =	stileid.u32  }
0x65: {  	s1 =	rddreg [dreg:$0x1];
	p0 =	sne.s32 s2, $0x0  }
0x66: {  	s3 =	rddreg [dreg:$0x2];
	[bflag:$0x3] =	sbarrier.arrive $0xFFFF;
	s2 =	simm.s32 @!p0 $0x1C01  }
0x67: {  	[timem:s3], [sflag:s2] =	dma.local @!p0 [hbm:s0], s1  }
0x68: {  	s0 =	simm.s32 @!p0 $0x1  }
0x69: {  	_ =	swait.ge @!p0 [sflag:s0], s1  }
0x6a: {  	s1 =	ssub.s32 @!p0 $0x0, s1;
	[sflag:s0] =	ssyncset.done @!p0 $0x0  }
0x6b: {  	[sflag:s0] =	ssyncadd.s32 @!p0 s1  }
0x6c: {  	[bflag:$0x3] =	sbarrier.arrive $0xFFFF  }
0x6d: {  	_ =	shalt  }

// kernel: _run.14.cloned.1.call-start
scs
__scs_entry_jumppad:
0x0: {  	(pc) =	sbr.rel $0x88, $3  }
0x1: {  	(tag) =	ssettag $0x0;
	lr =	simm.s32 $0x1  }
0x2: {  	[smem:$0x3F9B] =	sst lr;
	_ =	strace $0xD0000000  }
0x3: {  	_ = 	snop  }
0x4: {  	_ = 	snop  }
0x5: {  	_ = 	snop  }
0x6: {  	_ = 	snop  }
0x7: {  	_ = 	snop  }
__scs_overlays_trampoline_lowered:
0x8: {  	[smem:$0x3FAA] =	sst s0  }
0x9: {  	[smem:$0x3FAB] =	sst s1  }
0xa: {  	[smem:$0x3FAC] =	sst s2  }
0xb: {  	[smem:$0x3FAD] =	sst s3  }
0xc: {  	[smem:$0x3FAE] =	sst s4  }
0xd: {  	[smem:$0x3FAF] =	sst s5  }
0xe: {  	[smem:$0x3FB0] =	sst s6  }
0xf: {  	[smem:$0x3FB1] =	sst s7  }
0x10: {  	[smem:$0x3FB2] =	sst s8  }
0x11: {  	[smem:$0x3FB3] =	sst s9;
	s0 =	simm.s32 @!p0 $0x0  }
0x12: {  	s1 =	sld [smem:$0x3F99];
	s0 =	simm.s32 @p0 $0x1  }
0x13: {  	[smem:$0x3FB4] =	sst s0;
	s0 =	simm.s32 @!p1 $0x0  }
0x14: {  	s2 =	sld [smem:$0x3F98];
	s0 =	simm.s32 @p1 $0x1  }
0x15: {  	[smem:$0x3FB5] =	sst s0;
	s0 =	simm.s32 @!p2 $0x0  }
0x16: {  	s3 =	sld [smem:$0x3FDB];
	s0 =	simm.s32 @p2 $0x1  }
0x17: {  	s4 =	simm.s32 $0x1BF5;
	[smem:$0x3FB7] =	sst s0  }
0x18: {  	s0 =	sld [smem:$0x3F9A];
	_ =	swait.ge [sflag:s4], $0x0  }
0x19: {  	s7 =	sld [smem:$0x3F9B]  }
0x1a: {  	s8 =	sadd.s32 $0xFFFFE003, lr  }
0x1b: {  	s9 =	sadd.s32 $0xFFFFFEF7, lr;
	s5 =	simm.s32 $0xFFFFFFFF;
	p2 =	slt.u32 s8, $0xFFFFF086  }
0x1c: {  	p1 =	slt.u32 s9, $0xF7A;
	s5 =	simm.s32 @!p2 $0x0  }
0x1d: {  	s5 =	simm.s32 @p1 $0x1;
	p0 =	seq.s32 s7, s2  }
0x1e: {  	s7 =	smul.u32 @!p0 $0xF7A, s2;
	p2 =	seq.s32 @!p0 s5, $0x0  }
0x1f: {  	s9 =	smul.u32 $0xF7A, s1;
	s8 =	simm.s32 @!p0 $0x1BF5;
	p2 =	por !p2, p0  }
0x20: {  	[sflag:s8] =	ssyncset.s32 @!p0 $0xFFFFF086;
	s6 =	sadd.s32 @!p0 s3, s7;
	s7 =	simm.s32 @!p0 $0x108  }
0x21: {  	s3 =	sadd.s32 s3, s9;
	s6 =	sadd.s32 @!p0 $0x88, s6;
	s7 =	simm.s32 @p2 $0x1082  }
0x22: {  	[simem:s7], [sflag:s8] =	dma.local @!p0 [hbm:s6], $0xF7A  }
0x23: {  	s9 =	sor.u32 $0xD0000000, s2;
	s6 =	simm.s32 $0x108;
	_ =	swait.ge @!p0 [sflag:s8], $0x0  }
0x24: {  	s3 =	sadd.s32 $0x88, s3;
	s6 =	simm.s32 @!p1 $0x1082;
	[sflag:s4] =	ssyncset.s32 $0xFFFFF086  }
0x25: {  	[simem:s6], [sflag:s4] =	dma.local [hbm:s3], $0xF7A  }
0x26: {  	[smem:$0x3F9B] =	sst s1;
	(tag) =	ssettag s2;
	_ =	strace s9  }
0x27: {  	s1 =	sld [smem:$0x3FAB]  }
0x28: {  	s2 =	sld [smem:$0x3FAC]  }
0x29: {  	s4 =	sld [smem:$0x3FAE]  }
0x2a: {  	p0 =	seq.s32 s5, $0x0;
	s5 =	sld [smem:$0x3FAF]  }
0x2b: {  	s6 =	sld [smem:$0x3FB0]  }
0x2c: {  	s7 =	sld [smem:$0x3FB1]  }
0x2d: {  	s3 =	simm.s32 $0x108;
	s8 =	sld [smem:$0x3FB2]  }
0x2e: {  	s3 =	simm.s32 @!p0 $0x1082;
	s9 =	sld [smem:$0x3FB3]  }
0x2f: {  	lr =	sadd.s32 s0, s3;
	s0 =	sld [smem:$0x3FAA]  }
0x30: {  	s3 =	sld [smem:$0x3FAD]  }
0x31: {  	[smem:$0x3FB6] =	sst s10  }
0x32: {  	s10 =	sld [smem:$0x3FB4];
	_ =	sdelay $0x3  }
0x33: {  	p0 =	seq.s32 s10, $0x1;
	s10 =	sld [smem:$0x3FB6];
	_ =	sdelay $0x3  }
0x34: {  	[smem:$0x3FB6] =	sst s10  }
0x35: {  	s10 =	sld [smem:$0x3FB5];
	_ =	sdelay $0x3  }
0x36: {  	p1 =	seq.s32 s10, $0x1;
	s10 =	sld [smem:$0x3FB6];
	_ =	sdelay $0x3  }
0x37: {  	[smem:$0x3FB6] =	sst s10  }
0x38: {  	s10 =	sld [smem:$0x3FB7]  }
0x39: {  	_ = 	snop;
	(pc) =	sbr.ind lr, $3  }
0x3a: {  	_ = 	snop  }
0x3b: {  	_ = 	snop  }
0x3c: {  	p2 =	seq.s32 s10, $0x1;
	s10 =	sld [smem:$0x3FB6]  }
0x3d: {  	_ =	shalt  }
0x3e: {  	_ =	shalt  }
0x3f: {  	_ =	shalt  }
0x40: {  	_ =	shalt  }
0x41: {  	_ =	shalt  }
0x42: {  	_ =	shalt  }
0x43: {  	_ =	shalt  }
0x44: {  	_ =	shalt  }
0x45: {  	_ =	shalt  }
0x46: {  	_ =	shalt  }
0x47: {  	_ =	shalt  }
0x48: {  	_ =	shalt  }
0x49: {  	_ =	shalt  }
0x4a: {  	_ =	shalt  }
0x4b: {  	_ =	shalt  }
0x4c: {  	_ =	shalt  }
0x4d: {  	_ =	shalt  }
0x4e: {  	_ =	shalt  }
0x4f: {  	_ =	shalt  }
0x50: {  	_ =	shalt  }
0x51: {  	_ =	shalt  }
0x52: {  	_ =	shalt  }
0x53: {  	_ =	shalt  }
0x54: {  	_ =	shalt  }
0x55: {  	_ =	shalt  }
0x56: {  	_ =	shalt  }
0x57: {  	_ =	shalt  }
0x58: {  	_ =	shalt  }
0x59: {  	_ =	shalt  }
0x5a: {  	_ =	shalt  }
0x5b: {  	_ =	shalt  }
0x5c: {  	_ =	shalt  }
0x5d: {  	_ =	shalt  }
0x5e: {  	_ =	shalt  }
0x5f: {  	_ =	shalt  }
0x60: {  	_ =	shalt  }
0x61: {  	_ =	shalt  }
0x62: {  	_ =	shalt  }
0x63: {  	_ =	shalt  }
0x64: {  	_ =	shalt  }
0x65: {  	_ =	shalt  }
0x66: {  	_ =	shalt  }
0x67: {  	_ =	shalt  }
0x68: {  	_ =	shalt  }
0x69: {  	_ =	shalt  }
0x6a: {  	_ =	shalt  }
0x6b: {  	_ =	shalt  }
0x6c: {  	_ =	shalt  }
0x6d: {  	_ =	shalt  }
0x6e: {  	_ =	shalt  }
0x6f: {  	_ =	shalt  }
0x70: {  	_ =	shalt  }
0x71: {  	_ =	shalt  }
0x72: {  	_ =	shalt  }
0x73: {  	_ =	shalt  }
0x74: {  	_ =	shalt  }
0x75: {  	_ =	shalt  }
0x76: {  	_ =	shalt  }
0x77: {  	_ =	shalt  }
0x78: {  	_ =	shalt  }
0x79: {  	_ =	shalt  }
0x7a: {  	_ =	shalt  }
0x7b: {  	_ =	shalt  }
0x7c: {  	_ =	shalt  }
0x7d: {  	_ =	shalt  }
0x7e: {  	_ =	shalt  }
0x7f: {  	_ =	shalt  }
0x80: {  	_ =	shalt  }
0x81: {  	_ =	shalt  }
0x82: {  	_ =	shalt  }
0x83: {  	_ =	shalt  }
0x84: {  	_ =	shalt  }
0x85: {  	_ =	shalt  }
0x86: {  	_ =	shalt  }
0x87: {  	_ =	shalt  }
.Lfunc_end0:
.L_simem_size_0:
called_computation.2_lowered:
.L_overlay_start_0:
0x88: {  	s2 =	sld [smem:$0x3FD9]  }
0x89: {  	s3 =	sld [smem:$0x3FFE];
	_ =	sdelay $0x1  }
0x8a: {  	s1 =	srdreg.scid  }
0x8b: {  	s0 =	sand.u32 $0x1, s1  }
0x8c: {  	s17 =	sshll.u32 s0, $0xA;
	s2 =	sadd.s32 s3, s2  }
0x8d: {  	s2 =	sadd.s32 s2, s17  }
0x8e: {  	[smem:$0x3FC2] =	sst s2  }
0x8f: {  	_ = 	snop  }
0x90: {  	s2 =	sld [smem:$0x3FD0];
	(tm) =	ssettm $0x1  }
0x91: {  	s18 =	sld [smem:$0x3FFB];
	_ =	sdelay $0x3  }
0x92: {  	_ =	strace s18  }
0x93: {  	s3 =	sld [smem:$0x3FFC];
	_ =	sdelay $0x3  }
0x94: {  	_ =	strace s3  }
0x95: {  	s3 =	sld [smem:$0x3FFD];
	_ =	sdelay $0x3  }
0x96: {  	_ =	strace s3  }
0x97: {  	_ =	strace $0x8FFFFFFF  }
0x98: {  	s19 =	sld [smem:$0x3FDB];
	_ =	sdelay $0x1  }
0x99: {  	s4 =	simm.s32 $_scs_section_size  }
0x9a: {  	s5 =	simm.s32 $_size__tile_overlayer_lowered;
	s6 =	simm.s32 $_tile_overlayer_lowered  }
0x9b: {  	s22 =	simm.s32 $0x1BFF;
	s21 =	sshll.u32 s6, $0x1;
	s3 =	sadd.s32 s4, s19  }
0x9c: {  	s7 =	simm.s32 $0x0;
	s20 =	sshll.u32 s5, $0x1;
	s5 =	sadd.s32 s21, s3  }
0x9d: {  	[timem:s7], [sflag:s22] =	dma.local [hbm:s5], s20  }
0x9e: {  	_ =	swait.ge [sflag:s22], s20  }
0x9f: {  	s4 =	ssub.s32 $0x0, s20;
	[sflag:s22] =	ssyncset.done $0x0  }
0xa0: {  	[sflag:s22] =	ssyncadd.s32 s4;
	_ =	sdelay $0x1  }
0xa1: {  	s23 =	simm.s32 $0x1B8B  }
0xa2: {  	_ =	swait.ge [sflag:s23], $0x1  }
0xa3: {  	[sflag:s23] =	ssyncset.done $0x0  }
0xa4: {  	s25 =	simm.s32 $0x1B8E;
	s24 =	sld [smem:$0x3FFE];
	[sflag:s23] =	ssyncadd.s32 $0xFFFFFFFF  }
0xa5: {  	s26 =	simm.s32 $execute0_lowered;
	[smem:$0x3FD2] =	sst s25  }
0xa6: {  	s5 =	sshll.u32 s26, $0x1;
	_ =	strace $0x8000004C;
	[dreg:$0x1] =	wrdreg $0xFFFFFFFF  }
0xa7: {  	s28 =	simm.s32 $_size_execute0_lowered;
	s3 =	sadd.s32 s3, s5;
	[dreg:$0x0] =	wrdreg $0x0  }
0xa8: {  	s5 =	sshll.u32 s28, $0x1;
	[dreg:$0x2] =	wrdreg s3  }
0xa9: {  	[dreg:$0x3] =	wrdreg s5  }
0xaa: {  	[dreg:$0x4] =	wrdreg $0xC0  }
0xab: {  	_ =	task [dreg:s7], $0x5FFFF  }
0xac: {  	[dreg:$0x1] =	wrdreg $0xFFFFFFFF  }
0xad: {  	[dreg:$0x0] =	wrdreg $0x60  }
0xae: {  	[dreg:$0x2] =	wrdreg s24  }
0xaf: {  	[dreg:$0x3] =	wrdreg s2  }
0xb0: {  	[dreg:$0x4] =	wrdreg $0xC0000  }
0xb1: {  	[dreg:$0x5] =	wrdreg $0x9  }
0xb2: {  	_ =	task.clear_ibuf [dreg:s7], $0x6FFFF;
	_ =	strace $0x9000004C  }
0xb3: {  	s29 =	simm.s32 $0x9;
	_ =	strace $0x8000004E  }
0xb4: {  	_ =	swait.ge [sflag:s29], $0x1  }
0xb5: {  	[sflag:s29] =	ssyncadd.s32 $0xFFFFFFFF  }
0xb6: {  	_ =	strace $0x9000004E  }
0xb7: {  	_ =	sfence  }
0xb8: {  	s30 =	sld [smem:$0x0];
	_ =	sdelay $0x2  }
0xb9: {  	s31 =	sshll.u32 s1, $0xD;
	s1 =	sshrl.u32 s1, $0x2  }
0xba: {  	s3 =	sand.u32 $0x4000, s31;
	s1 =	sadd.s32 s1, s30  }
0xbb: {  	s0 =	sor.u32 s3, s0;
	s1 =	sshll.u32 s1, $0x11  }
0xbc: {  	s0 =	sor.u32 s1, s0  }
0xbd: {  	s0 =	sadd.s32 $0x8F2B, s0  }
0xbe: {  	[sflag:s0] =	ssyncadd.remote.s32 $0x1  }
0xbf: {  	_ =	sfence.sel $0xFFFF  }
0xc0: {  	[dreg:$0x0] =	wrdreg $0xFFFFFFFF;
	(pc) =	sbr.abs _section_cstart, $3  }
0xc1: {  	[dreg:$0x1] =	wrdreg $0xFFFFFFFF  }
0xc2: {  	_ =	task.clear_ibuf [dreg:s7], $0x2FFFF;
	_ =	strace $0x9FFFFFFF  }
0xc3: {  	(tm) =	ssettm $0x7FFFFFFF  }
tec
execute0_lowered:
.L_overlay_start_1:
0x0: {  	(tag) =	ssettag $0x1  }
0x1: {  	s5 =	rddreg [dreg:$0x0]  }
0x2: {  	s6 =	rddreg [dreg:$0x1]  }
0x3: {  	s1 =	rddreg [dreg:$0x2]  }
0x4: {  	s0 =	rddreg [dreg:$0x3];
	s3 =	simm.s32 $0x0  }
0x5: {  	s4 =	srdreg.scid;
	s2 =	stileid.u32;
	s15 =	simm.s32 $0x1  }
0x6: {  	s16 =	simm.s32 $0x4000;
	s17 =	simm.s32 $0x8000;
	s19 =	simm.s32 $0x0  }
0x7: {  	[smem:$0x7FF] =	sst s3;
	s7 =	sand.u32 $0x1, s4;
	s28 =	sshll.u32 s2, $0x9  }
0x8: {  	s9 =	sshll.u32 s2, $0xB;
	s11 =	smul.u32 $0x14000, s2;
	s4 =	sadd.s32 $0xD200, s5  }
0x9: {  	s29 =	smul.u32 $0x50000, s2;
	s18 =	sshll.u32 s2, $0x6;
	p0 =	seq.s32 s7, $0x0  }
0xa: {  	s8 =	smul.u32 $0x140000, s7;
	s10 =	sor.u32 $0x8000, s28;
	_ =	strace $0x8000004D  }
0xb: {  	s7 =	ssub.s32 $0x2, s7;
	s18 =	sor.u32 $0x1C01, s18;
	s10 =	smov.u32 @p0 s9  }
0xc: {  	s30 =	sshrl.u32 s7, $0x1;
	s31 =	sshrl.u32 s29, $0x2;
	s9 =	sadd.s32 s10, s5  }
0xd: {  	s8 =	sadd.s32 s11, s8;
	s13 =	ssub.s32 s7, s30;
	s6 =	sadd.s32 s6, s10  }
0xe: {  	s8 =	sshrl.u32 s8, $0x3;
	s7 =	sadd.s32 $0x2A00, s9;
	s10 =	smax.u32 s13, $0x1  }
0xf: {  	s12 =	sadd.s32 s8, s5;
	s5 =	simm.s32 $0x80;
	s8 =	sadd.s32 s31, s1  }
0x10: {  	s5 =	simm.s32 @!p0 $0x20;
	s9 =	sadd.s32 $0x35200, s12;
	s11 =	sadd.s32 $0x4000, s8  }
0x11: {  	v0 =	vimm.f32 $0.0e+00;
	s12 =	sadd.s32 $0x8000, s8;
	s13 =	sadd.s32 $0xC000, s8;
	s14 =	sadd.s32 $0x10000, s8  }
.LBB2_1:
0x12: {  	[tilespmem:s3], [sflag:$0x1] =	stream.linear.gather [hbm4b:s6+s3], $0x4000, $0x38;
	v63 =	vld [tilespmem:$0x0]  }
0x13: {  	_ =	swait.ge [sflag:s15], $0x4000  }
0x14: {  	[sflag:s15] =	ssyncset.done $0x0  }
0x15: {  	[sflag:s15] =	ssyncadd.s32 $0xFFFFC000  }
0x16: {  	[tilespmem:s16], [sflag:$0x1] =	stream.linear.gather [hbm4b:s7+s3], $0x4000, $0x38;
	v63 =	vld [tilespmem:$0x0]  }
0x17: {  	_ =	swait.ge [sflag:s15], $0x4000  }
0x18: {  	[sflag:s15] =	ssyncset.done $0x0  }
0x19: {  	s20 =	simm.s32 $0x0;
	s21 =	simm.s32 $0x200;
	[sflag:s15] =	ssyncadd.s32 $0xFFFFC000  }
.LBB2_2:
0x1a: {  	p0 =	sne.s32 s21, $0xFE00;
	[tilespmem:s20+$0x8070] =	vst v0  }
0x1b: {  	[tilespmem:s20+$0x8000] =	vst v0  }
0x1c: {  	[tilespmem:s20+$0x8010] =	vst v0  }
.Ltmp0:
0x1d: {  	[tilespmem:s20+$0x8020] =	vst v0;
	(pc) =	sbr.rel @p0 .LBB2_2-.Ltmp0, $4  }
0x1e: {  	[tilespmem:s20+$0x8030] =	vst v0  }
0x1f: {  	[tilespmem:s20+$0x8040] =	vst v0  }
0x20: {  	[tilespmem:s20+$0x8050] =	vst v0  }
0x21: {  	[tilespmem:s20+$0x8060] =	vst v0;
	s20 =	sshra.s32 s21, $0x2;
	s21 =	sadd.s32 $0x200, s21  }
0x22: {  	[tilespmem:s20+$0x8070] =	vst v0  }
0x23: {  	[tilespmem:s20+$0x8000] =	vst v0  }
0x24: {  	[tilespmem:s20+$0x8010] =	vst v0  }
0x25: {  	[tilespmem:s20+$0x8020] =	vst v0  }
0x26: {  	[tilespmem:s20+$0x8030] =	vst v0  }
0x27: {  	[tilespmem:s20+$0x8040] =	vst v0  }
0x28: {  	[tilespmem:s20+$0x8050] =	vst v0  }
0x29: {  	[tilespmem:s20+$0x8060] =	vst v0  }
0x2a: {  	[spmem:s8] =	stream.linear.scatter [tilespmem:s17], [sflag:$0x1], $0x4000, $0x38;
	v63 =	vld [tilespmem:$0x0]  }
0x2b: {  	_ =	swait.ge [sflag:s15], $0x4000  }
0x2c: {  	[sflag:s15] =	ssyncset.done $0x0  }
0x2d: {  	[sflag:s15] =	ssyncadd.s32 $0xFFFFC000  }
0x2e: {  	[spmem:s11] =	stream.linear.scatter [tilespmem:s17], [sflag:$0x1], $0x4000, $0x38;
	v63 =	vld [tilespmem:$0x0]  }
0x2f: {  	_ =	swait.ge [sflag:s15], $0x4000  }
0x30: {  	[sflag:s15] =	ssyncset.done $0x0  }
0x31: {  	[sflag:s15] =	ssyncadd.s32 $0xFFFFC000  }
0x32: {  	[spmem:s12] =	stream.linear.scatter [tilespmem:s17], [sflag:$0x1], $0x4000, $0x38;
	v63 =	vld [tilespmem:$0x0]  }
0x33: {  	_ =	swait.ge [sflag:s15], $0x4000  }
0x34: {  	[sflag:s15] =	ssyncset.done $0x0  }
0x35: {  	[sflag:s15] =	ssyncadd.s32 $0xFFFFC000  }
0x36: {  	[spmem:s13] =	stream.linear.scatter [tilespmem:s17], [sflag:$0x1], $0x4000, $0x38;
	v63 =	vld [tilespmem:$0x0]  }
0x37: {  	_ =	swait.ge [sflag:s15], $0x4000  }
0x38: {  	[sflag:s15] =	ssyncset.done $0x0  }
0x39: {  	[sflag:s15] =	ssyncadd.s32 $0xFFFFC000  }
0x3a: {  	[spmem:s14] =	stream.linear.scatter [tilespmem:s17], [sflag:$0x1], $0x4000, $0x38;
	v63 =	vld [tilespmem:$0x0]  }
0x3b: {  	_ =	swait.ge [sflag:s15], $0x4000  }
0x3c: {  	p0 =	sle.u32 s5, $0x0;
	[sflag:s15] =	ssyncset.done $0x0  }
0x3d: {  	s20 =	simm.s32 $0x0;
	s21 =	simm.s32 @!p0 $0x80;
	[sflag:s15] =	ssyncadd.s32 $0xFFFFC000  }
0x3e: {  	s22 =	simm.s32 @!p0 $0x8000;
	s23 =	simm.s32 @!p0 $0x2;
	[bflag:$0x0] =	sbarrier.arrive $0xFFFF  }
0x3f: {  	[tilespmem:s22], [sflag:$0x2] =	stream.indirect.gather @!p0 [hbm4b:s4+s21], $0x80, s20, s21, $0xb8;
	v63 =	vld [tilespmem:$0x0]  }
0x40: {  	_ =	swait.ge @!p0 [sflag:s23], $0x4000  }
0x41: {  	[sflag:s23] =	ssyncset.done @!p0 $0x0;
	p0 =	por p0, p0  }
0x42: {  	s20 =	simm.s32 $0x4000;
	[sflag:s23] =	ssyncadd.s32 @!p0 $0xFFFFC000  }
0x43: {  	[spmem:s1] =	stream.indirect.scatter.add.f32 @!p0 [tilespmem:s22], [sflag:$0x1], $0x80, s20, s21, $0xb8;
	v63 =	vld [tilespmem:$0x0]  }
0x44: {  	p1 =	sle.u32 s5, $0x1;
	s23 =	simm.s32 @!p0 $0x1;
	s22 =	simm.s32 $0x2  }
0x45: {  	s20 =	simm.s32 $0x4080;
	s21 =	simm.s32 $0x80;
	_ =	swait.ge @!p0 [sflag:s23], $0x4000  }
.LBB2_4:
0x46: {  	s24 =	simm.s32 @!p1 $0x80;
	s25 =	simm.s32 @!p1 $0x8000;
	[sflag:s23] =	ssyncset.done @!p0 $0x0  }
0x47: {  	s26 =	smov.u32 s22;
	s28 =	smov.u32 s20;
	s22 =	sadd.s32 $0x1, s22  }
0x48: {  	s29 =	simm.s32 @!p1 $0x2;
	[sflag:s23] =	ssyncadd.s32 @!p0 $0xFFFFC000;
	p2 =	sne.s32 s22, $0x80  }
0x49: {  	[tilespmem:s25], [sflag:$0x2] =	stream.indirect.gather @!p1 [hbm4b:s4+s24], $0x80, s21, s24, $0xb8;
	v63 =	vld [tilespmem:$0x0]  }
.Ltmp1:
0x4a: {  	_ =	swait.ge @!p1 [sflag:s29], $0x4000;
	(pc) =	sbr.rel @p2 .LBB2_4-.Ltmp1, $4  }
0x4b: {  	p0 =	por p1, p1;
	[sflag:s29] =	ssyncset.done @!p1 $0x0  }
0x4c: {  	s20 =	sadd.s32 $0x80, s20;
	s23 =	simm.s32 @!p0 $0x1;
	[sflag:s29] =	ssyncadd.s32 @!p0 $0xFFFFC000  }
0x4d: {  	[spmem:s1] =	stream.indirect.scatter.add.f32 @!p0 [tilespmem:s25], [sflag:$0x1], $0x80, s28, s24, $0xb8;
	v63 =	vld [tilespmem:$0x0]  }
0x4e: {  	s21 =	sadd.s32 $0x80, s21;
	p1 =	sge.u32 s26, s5;
	_ =	swait.ge @!p0 [sflag:s23], $0x4000  }
0x4f: {  	s22 =	simm.s32 @!p1 $0x80;
	[sflag:s23] =	ssyncset.done @!p0 $0x0  }
0x50: {  	s24 =	simm.s32 @!p1 $0x8000;
	s25 =	simm.s32 @!p1 $0x2;
	[sflag:s23] =	ssyncadd.s32 @!p0 $0xFFFFC000  }
0x51: {  	[tilespmem:s24], [sflag:$0x2] =	stream.indirect.gather @!p1 [hbm4b:s4+s22], $0x80, s21, s22, $0xb8;
	v63 =	vld [tilespmem:$0x0]  }
0x52: {  	_ =	swait.ge @!p1 [sflag:s25], $0x4000  }
0x53: {  	p0 =	por p1, p1;
	[sflag:s25] =	ssyncset.done @!p1 $0x0  }
0x54: {  	s21 =	simm.s32 @!p0 $0x1;
	[sflag:s25] =	ssyncadd.s32 @!p0 $0xFFFFC000  }
0x55: {  	[spmem:s1] =	stream.indirect.scatter.add.f32 @!p0 [tilespmem:s24], [sflag:$0x1], $0x80, s20, s22, $0xb8;
	v63 =	vld [tilespmem:$0x0]  }
0x56: {  	_ =	swait.ge @!p0 [sflag:s21], $0x4000  }
0x57: {  	s19 =	sadd.s32 $0x1, s19;
	[sflag:s21] =	ssyncset.done @!p0 $0x0  }
0x58: {  	[sflag:s21] =	ssyncadd.s32 @!p0 $0xFFFFC000;
	p0 =	sne.s32 s19, s10  }
.Ltmp2:
0x59: {  	s31 =	sshrl.u32 s8, $0x3;
	[bflag:$0x0] =	sbarrier.arrive $0xFFFF;
	(pc) =	sbr.rel @p0 .LBB2_1-.Ltmp2, $4  }
0x5a: {  	[hbm:s9], [sflag:s18] =	dma.local [spmem:s31], $0x2800  }
0x5b: {  	_ =	swait.ge [sflag:s15], $0x2800  }
0x5c: {  	[sflag:s15] =	ssyncset.done $0x0  }
0x5d: {  	[sflag:s15] =	ssyncadd.s32 $0xFFFFD800  }
0x5e: {  	_ =	sfence.sel $0x180000  }
0x5f: {  	[bflag:$0x0] =	sbarrier.arrive $0xFFFF  }
0x60: {  	p0 =	sne.s32 s2, $0x0;
	_ =	strace $0x9000004D  }
0x61: {  	s0 =	sadd.s32 @!p0 $0x100000, s0;
	[bflag:$0x2] =	sbarrier.arrive $0xFFFF  }
0x62: {  	[sflag:s0] =	ssyncadd.tile.s32 @!p0 $0x1;
	_ =	shalt  }
.Lfunc_end2:
_tile_overlayer_lowered:
.L_overlay_start_2:
0x63: {  	(tag) =	ssettag $0x2  }
0x64: {  	s0 =	rddreg [dreg:$0x0];
	s2 =	stileid.u32  }
0x65: {  	s1 =	rddreg [dreg:$0x1];
	p0 =	sne.s32 s2, $0x0  }
0x66: {  	s3 =	rddreg [dreg:$0x2];
	[bflag:$0x3] =	sbarrier.arrive $0xFFFF;
	s2 =	simm.s32 @!p0 $0x1C01  }
0x67: {  	[timem:s3], [sflag:s2] =	dma.local @!p0 [hbm:s0], s1  }
0x68: {  	s0 =	simm.s32 @!p0 $0x1  }
0x69: {  	_ =	swait.ge @!p0 [sflag:s0], s1  }
0x6a: {  	s1 =	ssub.s32 @!p0 $0x0, s1;
	[sflag:s0] =	ssyncset.done @!p0 $0x0  }
0x6b: {  	[sflag:s0] =	ssyncadd.s32 @!p0 s1  }
0x6c: {  	[bflag:$0x3] =	sbarrier.arrive $0xFFFF  }
0x6d: {  	_ =	shalt  }

// kernel: _run.8.cloned.1.call-start
scs
__scs_entry_jumppad:
0x0: {  	(pc) =	sbr.rel $0x88, $3  }
0x1: {  	(tag) =	ssettag $0x0;
	lr =	simm.s32 $0x1  }
0x2: {  	[smem:$0x3F9B] =	sst lr;
	_ =	strace $0xD0000000  }
0x3: {  	_ = 	snop  }
0x4: {  	_ = 	snop  }
0x5: {  	_ = 	snop  }
0x6: {  	_ = 	snop  }
0x7: {  	_ = 	snop  }
__scs_overlays_trampoline_lowered:
0x8: {  	[smem:$0x3FAA] =	sst s0  }
0x9: {  	[smem:$0x3FAB] =	sst s1  }
0xa: {  	[smem:$0x3FAC] =	sst s2  }
0xb: {  	[smem:$0x3FAD] =	sst s3  }
0xc: {  	[smem:$0x3FAE] =	sst s4  }
0xd: {  	[smem:$0x3FAF] =	sst s5  }
0xe: {  	[smem:$0x3FB0] =	sst s6  }
0xf: {  	[smem:$0x3FB1] =	sst s7  }
0x10: {  	[smem:$0x3FB2] =	sst s8  }
0x11: {  	[smem:$0x3FB3] =	sst s9;
	s0 =	simm.s32 @!p0 $0x0  }
0x12: {  	s1 =	sld [smem:$0x3F99];
	s0 =	simm.s32 @p0 $0x1  }
0x13: {  	[smem:$0x3FB4] =	sst s0;
	s0 =	simm.s32 @!p1 $0x0  }
0x14: {  	s2 =	sld [smem:$0x3F98];
	s0 =	simm.s32 @p1 $0x1  }
0x15: {  	[smem:$0x3FB5] =	sst s0;
	s0 =	simm.s32 @!p2 $0x0  }
0x16: {  	s3 =	sld [smem:$0x3FDB];
	s0 =	simm.s32 @p2 $0x1  }
0x17: {  	s4 =	simm.s32 $0x1BF5;
	[smem:$0x3FB7] =	sst s0  }
0x18: {  	s0 =	sld [smem:$0x3F9A];
	_ =	swait.ge [sflag:s4], $0x0  }
0x19: {  	s7 =	sld [smem:$0x3F9B]  }
0x1a: {  	s8 =	sadd.s32 $0xFFFFE003, lr  }
0x1b: {  	s9 =	sadd.s32 $0xFFFFFEF7, lr;
	s5 =	simm.s32 $0xFFFFFFFF;
	p2 =	slt.u32 s8, $0xFFFFF086  }
0x1c: {  	p1 =	slt.u32 s9, $0xF7A;
	s5 =	simm.s32 @!p2 $0x0  }
0x1d: {  	s5 =	simm.s32 @p1 $0x1;
	p0 =	seq.s32 s7, s2  }
0x1e: {  	s7 =	smul.u32 @!p0 $0xF7A, s2;
	p2 =	seq.s32 @!p0 s5, $0x0  }
0x1f: {  	s9 =	smul.u32 $0xF7A, s1;
	s8 =	simm.s32 @!p0 $0x1BF5;
	p2 =	por !p2, p0  }
0x20: {  	[sflag:s8] =	ssyncset.s32 @!p0 $0xFFFFF086;
	s6 =	sadd.s32 @!p0 s3, s7;
	s7 =	simm.s32 @!p0 $0x108  }
0x21: {  	s3 =	sadd.s32 s3, s9;
	s6 =	sadd.s32 @!p0 $0x88, s6;
	s7 =	simm.s32 @p2 $0x1082  }
0x22: {  	[simem:s7], [sflag:s8] =	dma.local @!p0 [hbm:s6], $0xF7A  }
0x23: {  	s9 =	sor.u32 $0xD0000000, s2;
	s6 =	simm.s32 $0x108;
	_ =	swait.ge @!p0 [sflag:s8], $0x0  }
0x24: {  	s3 =	sadd.s32 $0x88, s3;
	s6 =	simm.s32 @!p1 $0x1082;
	[sflag:s4] =	ssyncset.s32 $0xFFFFF086  }
0x25: {  	[simem:s6], [sflag:s4] =	dma.local [hbm:s3], $0xF7A  }
0x26: {  	[smem:$0x3F9B] =	sst s1;
	(tag) =	ssettag s2;
	_ =	strace s9  }
0x27: {  	s1 =	sld [smem:$0x3FAB]  }
0x28: {  	s2 =	sld [smem:$0x3FAC]  }
0x29: {  	s4 =	sld [smem:$0x3FAE]  }
0x2a: {  	p0 =	seq.s32 s5, $0x0;
	s5 =	sld [smem:$0x3FAF]  }
0x2b: {  	s6 =	sld [smem:$0x3FB0]  }
0x2c: {  	s7 =	sld [smem:$0x3FB1]  }
0x2d: {  	s3 =	simm.s32 $0x108;
	s8 =	sld [smem:$0x3FB2]  }
0x2e: {  	s3 =	simm.s32 @!p0 $0x1082;
	s9 =	sld [smem:$0x3FB3]  }
0x2f: {  	lr =	sadd.s32 s0, s3;
	s0 =	sld [smem:$0x3FAA]  }
0x30: {  	s3 =	sld [smem:$0x3FAD]  }
0x31: {  	[smem:$0x3FB6] =	sst s10  }
0x32: {  	s10 =	sld [smem:$0x3FB4];
	_ =	sdelay $0x3  }
0x33: {  	p0 =	seq.s32 s10, $0x1;
	s10 =	sld [smem:$0x3FB6];
	_ =	sdelay $0x3  }
0x34: {  	[smem:$0x3FB6] =	sst s10  }
0x35: {  	s10 =	sld [smem:$0x3FB5];
	_ =	sdelay $0x3  }
0x36: {  	p1 =	seq.s32 s10, $0x1;
	s10 =	sld [smem:$0x3FB6];
	_ =	sdelay $0x3  }
0x37: {  	[smem:$0x3FB6] =	sst s10  }
0x38: {  	s10 =	sld [smem:$0x3FB7]  }
0x39: {  	_ = 	snop;
	(pc) =	sbr.ind lr, $3  }
0x3a: {  	_ = 	snop  }
0x3b: {  	_ = 	snop  }
0x3c: {  	p2 =	seq.s32 s10, $0x1;
	s10 =	sld [smem:$0x3FB6]  }
0x3d: {  	_ =	shalt  }
0x3e: {  	_ =	shalt  }
0x3f: {  	_ =	shalt  }
0x40: {  	_ =	shalt  }
0x41: {  	_ =	shalt  }
0x42: {  	_ =	shalt  }
0x43: {  	_ =	shalt  }
0x44: {  	_ =	shalt  }
0x45: {  	_ =	shalt  }
0x46: {  	_ =	shalt  }
0x47: {  	_ =	shalt  }
0x48: {  	_ =	shalt  }
0x49: {  	_ =	shalt  }
0x4a: {  	_ =	shalt  }
0x4b: {  	_ =	shalt  }
0x4c: {  	_ =	shalt  }
0x4d: {  	_ =	shalt  }
0x4e: {  	_ =	shalt  }
0x4f: {  	_ =	shalt  }
0x50: {  	_ =	shalt  }
0x51: {  	_ =	shalt  }
0x52: {  	_ =	shalt  }
0x53: {  	_ =	shalt  }
0x54: {  	_ =	shalt  }
0x55: {  	_ =	shalt  }
0x56: {  	_ =	shalt  }
0x57: {  	_ =	shalt  }
0x58: {  	_ =	shalt  }
0x59: {  	_ =	shalt  }
0x5a: {  	_ =	shalt  }
0x5b: {  	_ =	shalt  }
0x5c: {  	_ =	shalt  }
0x5d: {  	_ =	shalt  }
0x5e: {  	_ =	shalt  }
0x5f: {  	_ =	shalt  }
0x60: {  	_ =	shalt  }
0x61: {  	_ =	shalt  }
0x62: {  	_ =	shalt  }
0x63: {  	_ =	shalt  }
0x64: {  	_ =	shalt  }
0x65: {  	_ =	shalt  }
0x66: {  	_ =	shalt  }
0x67: {  	_ =	shalt  }
0x68: {  	_ =	shalt  }
0x69: {  	_ =	shalt  }
0x6a: {  	_ =	shalt  }
0x6b: {  	_ =	shalt  }
0x6c: {  	_ =	shalt  }
0x6d: {  	_ =	shalt  }
0x6e: {  	_ =	shalt  }
0x6f: {  	_ =	shalt  }
0x70: {  	_ =	shalt  }
0x71: {  	_ =	shalt  }
0x72: {  	_ =	shalt  }
0x73: {  	_ =	shalt  }
0x74: {  	_ =	shalt  }
0x75: {  	_ =	shalt  }
0x76: {  	_ =	shalt  }
0x77: {  	_ =	shalt  }
0x78: {  	_ =	shalt  }
0x79: {  	_ =	shalt  }
0x7a: {  	_ =	shalt  }
0x7b: {  	_ =	shalt  }
0x7c: {  	_ =	shalt  }
0x7d: {  	_ =	shalt  }
0x7e: {  	_ =	shalt  }
0x7f: {  	_ =	shalt  }
0x80: {  	_ =	shalt  }
0x81: {  	_ =	shalt  }
0x82: {  	_ =	shalt  }
0x83: {  	_ =	shalt  }
0x84: {  	_ =	shalt  }
0x85: {  	_ =	shalt  }
0x86: {  	_ =	shalt  }
0x87: {  	_ =	shalt  }
.Lfunc_end0:
.L_simem_size_0:
called_computation_lowered:
.L_overlay_start_0:
0x88: {  	s2 =	sld [smem:$0x3FD9]  }
0x89: {  	s3 =	sld [smem:$0x3FFE];
	_ =	sdelay $0x1  }
0x8a: {  	s1 =	srdreg.scid  }
0x8b: {  	s0 =	sand.u32 $0x1, s1  }
0x8c: {  	s16 =	sshll.u32 s0, $0xA;
	s2 =	sadd.s32 s3, s2  }
0x8d: {  	s2 =	sadd.s32 s2, s16  }
0x8e: {  	[smem:$0x3FC2] =	sst s2  }
0x8f: {  	_ = 	snop  }
0x90: {  	(tm) =	ssettm $0x1  }
0x91: {  	s17 =	sld [smem:$0x3FFB];
	_ =	sdelay $0x3  }
0x92: {  	_ =	strace s17  }
0x93: {  	s2 =	sld [smem:$0x3FFC];
	_ =	sdelay $0x3  }
0x94: {  	_ =	strace s2  }
0x95: {  	s2 =	sld [smem:$0x3FFD];
	_ =	sdelay $0x3  }
0x96: {  	_ =	strace s2  }
0x97: {  	_ =	strace $0x8FFFFFFF  }
0x98: {  	s18 =	sld [smem:$0x3FDB];
	_ =	sdelay $0x1  }
0x99: {  	s19 =	simm.s32 $_scs_section_size  }
0x9a: {  	s4 =	simm.s32 $_size__tile_overlayer_lowered;
	s5 =	simm.s32 $_tile_overlayer_lowered  }
0x9b: {  	s22 =	simm.s32 $0x1BFF;
	s21 =	sshll.u32 s5, $0x1;
	s2 =	sadd.s32 s19, s18  }
0x9c: {  	s6 =	simm.s32 $0x0;
	s20 =	sshll.u32 s4, $0x1;
	s4 =	sadd.s32 s21, s2  }
0x9d: {  	[timem:s6], [sflag:s22] =	dma.local [hbm:s4], s20  }
0x9e: {  	_ =	swait.ge [sflag:s22], s20  }
0x9f: {  	s3 =	ssub.s32 $0x0, s20;
	[sflag:s22] =	ssyncset.done $0x0  }
0xa0: {  	[sflag:s22] =	ssyncadd.s32 s3;
	_ =	sdelay $0x1  }
0xa1: {  	s23 =	simm.s32 $0x1B8B  }
0xa2: {  	_ =	swait.ge [sflag:s23], $0x1  }
0xa3: {  	[sflag:s23] =	ssyncset.done $0x0  }
0xa4: {  	s25 =	simm.s32 $0x1B8E;
	s24 =	sld [smem:$0x3FFE];
	[sflag:s23] =	ssyncadd.s32 $0xFFFFFFFF  }
0xa5: {  	s26 =	simm.s32 $execute0_lowered;
	[smem:$0x3FD2] =	sst s25  }
0xa6: {  	s4 =	sshll.u32 s26, $0x1;
	_ =	strace $0x80000046;
	[dreg:$0x1] =	wrdreg $0xFFFFFFFF  }
0xa7: {  	s28 =	simm.s32 $_size_execute0_lowered;
	s2 =	sadd.s32 s2, s4;
	[dreg:$0x0] =	wrdreg $0x0  }
0xa8: {  	s4 =	sshll.u32 s28, $0x1;
	[dreg:$0x2] =	wrdreg s2  }
0xa9: {  	[dreg:$0x3] =	wrdreg s4  }
0xaa: {  	[dreg:$0x4] =	wrdreg $0xC0  }
0xab: {  	_ =	task [dreg:s6], $0x5FFFF  }
0xac: {  	[dreg:$0x1] =	wrdreg $0xFFFFFFFF  }
0xad: {  	[dreg:$0x0] =	wrdreg $0x60  }
0xae: {  	[dreg:$0x2] =	wrdreg s24  }
0xaf: {  	[dreg:$0x3] =	wrdreg $0x28800  }
0xb0: {  	[dreg:$0x4] =	wrdreg $0x9  }
0xb1: {  	_ =	task.clear_ibuf [dreg:s6], $0x5FFFF;
	_ =	strace $0x90000046  }
0xb2: {  	s29 =	simm.s32 $0x9;
	_ =	strace $0x80000048  }
0xb3: {  	_ =	swait.ge [sflag:s29], $0x1  }
0xb4: {  	[sflag:s29] =	ssyncadd.s32 $0xFFFFFFFF  }
0xb5: {  	_ =	strace $0x90000048  }
0xb6: {  	_ =	sfence  }
0xb7: {  	s30 =	sld [smem:$0x0];
	_ =	sdelay $0x2  }
0xb8: {  	s31 =	sshll.u32 s1, $0xD;
	s1 =	sshrl.u32 s1, $0x2  }
0xb9: {  	s3 =	sand.u32 $0x4000, s31;
	s1 =	sadd.s32 s1, s30  }
0xba: {  	s0 =	sor.u32 s3, s0;
	s1 =	sshll.u32 s1, $0x11  }
0xbb: {  	s0 =	sor.u32 s1, s0  }
0xbc: {  	s0 =	sadd.s32 $0x8F2B, s0  }
0xbd: {  	[sflag:s0] =	ssyncadd.remote.s32 $0x1  }
0xbe: {  	_ =	sfence.sel $0xFFFF  }
0xbf: {  	[dreg:$0x0] =	wrdreg $0xFFFFFFFF;
	(pc) =	sbr.abs _section_cstart, $3  }
0xc0: {  	[dreg:$0x1] =	wrdreg $0xFFFFFFFF  }
0xc1: {  	_ =	task.clear_ibuf [dreg:s6], $0x2FFFF;
	_ =	strace $0x9FFFFFFF  }
0xc2: {  	(tm) =	ssettm $0x7FFFFFFF  }
0xc3: {  	_ =	shalt  }
tec
execute0_lowered:
.L_overlay_start_1:
0x0: {  	(tag) =	ssettag $0x1  }
0x1: {  	s4 =	rddreg [dreg:$0x0];
	s0 =	srdreg.scid  }
0x2: {  	s2 =	rddreg [dreg:$0x1];
	s1 =	stileid.u32  }
0x3: {  	s3 =	simm.s32 $0x0;
	s12 =	simm.s32 $0x1;
	s13 =	simm.s32 $0x2800  }
0x4: {  	s14 =	simm.s32 $0x80;
	s17 =	simm.s32 $0x20;
	s18 =	simm.s32 $0x10  }
0x5: {  	s5 =	sand.u32 $0x1, s0;
	s0 =	rddreg [dreg:$0x2];
	s7 =	smul.u32 $0x500, s1  }
0x6: {  	s19 =	simm.s32 $0x0;
	[smem:$0x7FF] =	sst s3;
	s30 =	smul.u32 $0xA00, s1  }
0x7: {  	s15 =	sshll.u32 s1, $0x6;
	s6 =	sshll.u32 s5, $0x4;
	s8 =	sshll.u32 s5, $0x7  }
0x8: {  	_ =	strace $0x80000047;
	s5 =	ssub.s32 $0x2, s5;
	s15 =	sor.u32 $0x1C01, s15  }
0x9: {  	s6 =	sor.u32 s1, s6;
	s7 =	sor.u32 s8, s7;
	s31 =	sshrl.u32 s5, $0x1  }
0xa: {  	s8 =	sshrl.u32 s30, $0x2;
	s6 =	smul.u32 $0x500, s6;
	s7 =	sshrl.u32 s7, $0x3  }
0xb: {  	s9 =	ssub.s32 s5, s31;
	s5 =	sadd.s32 s8, s2;
	s7 =	sadd.s32 s7, s4  }
0xc: {  	s8 =	sadd.s32 $0x80, s5;
	s10 =	sadd.s32 $0x180, s5;
	s6 =	sadd.s32 s6, s4  }
0xd: {  	s11 =	sadd.s32 $0x200, s5;
	s16 =	sshrl.u32 s5, $0x3;
	s4 =	sadd.s32 $0x2A00, s6  }
0xe: {  	v0 =	vimm.f32 $0.0e+00;
	v1 =	vimm.f32 $1.000000000e+00;
	s6 =	sadd.s32 $0xD200, s7;
	s7 =	smax.u32 s9, $0x1;
	s9 =	sadd.s32 $0x100, s5  }
.LBB2_1:
0xf: {  	[tilespmem:s3], [sflag:$0x1] =	stream.linear.gather [hbm4b:s4+s3], $0x2800, $0x38;
	[tilespmem:$0x2B00] =	vst v63  }
0x10: {  	_ =	swait.ge [sflag:s12], $0x2800  }
0x11: {  	[sflag:s12] =	ssyncset.done $0x0  }
0x12: {  	[sflag:s12] =	ssyncadd.s32 $0xFFFFD800  }
0x13: {  	[tilespmem:$0x2800] =	vst v0  }
0x14: {  	[tilespmem:$0x2810] =	vst v0  }
0x15: {  	[tilespmem:$0x2820] =	vst v0  }
0x16: {  	[tilespmem:$0x2830] =	vst v0  }
0x17: {  	[tilespmem:$0x2840] =	vst v0  }
0x18: {  	[tilespmem:$0x2850] =	vst v0  }
0x19: {  	[tilespmem:$0x2860] =	vst v0  }
0x1a: {  	[tilespmem:$0x2870] =	vst v0  }
0x1b: {  	[spmem:s5] =	stream.linear.scatter [tilespmem:s13], [sflag:$0x1], $0x80, $0x38;
	[tilespmem:$0x2B00] =	vst v63  }
0x1c: {  	_ =	swait.ge [sflag:s12], $0x80  }
0x1d: {  	[sflag:s12] =	ssyncset.done $0x0  }
0x1e: {  	[sflag:s12] =	ssyncadd.s32 $0xFFFFFF80  }
0x1f: {  	[spmem:s8] =	stream.linear.scatter [tilespmem:s13], [sflag:$0x1], $0x80, $0x38;
	[tilespmem:$0x2B00] =	vst v63  }
0x20: {  	_ =	swait.ge [sflag:s12], $0x80  }
0x21: {  	[sflag:s12] =	ssyncset.done $0x0  }
0x22: {  	[sflag:s12] =	ssyncadd.s32 $0xFFFFFF80  }
0x23: {  	[spmem:s9] =	stream.linear.scatter [tilespmem:s13], [sflag:$0x1], $0x80, $0x38;
	[tilespmem:$0x2B00] =	vst v63  }
0x24: {  	_ =	swait.ge [sflag:s12], $0x80  }
0x25: {  	[sflag:s12] =	ssyncset.done $0x0  }
0x26: {  	[sflag:s12] =	ssyncadd.s32 $0xFFFFFF80  }
0x27: {  	[spmem:s10] =	stream.linear.scatter [tilespmem:s13], [sflag:$0x1], $0x80, $0x38;
	[tilespmem:$0x2B00] =	vst v63  }
0x28: {  	_ =	swait.ge [sflag:s12], $0x80  }
0x29: {  	[sflag:s12] =	ssyncset.done $0x0  }
0x2a: {  	[sflag:s12] =	ssyncadd.s32 $0xFFFFFF80  }
0x2b: {  	[spmem:s11] =	stream.linear.scatter [tilespmem:s13], [sflag:$0x1], $0x80, $0x38;
	[tilespmem:$0x2B00] =	vst v63  }
0x2c: {  	_ =	swait.ge [sflag:s12], $0x80  }
0x2d: {  	[sflag:s12] =	ssyncset.done $0x0  }
0x2e: {  	[sflag:s12] =	ssyncadd.s32 $0xFFFFFF80  }
0x2f: {  	[tilespmem:$0x2800] =	vst v1  }
0x30: {  	[tilespmem:$0x2810] =	vst v1  }
0x31: {  	[tilespmem:$0x2820] =	vst v1  }
0x32: {  	[tilespmem:$0x2830] =	vst v1  }
0x33: {  	[tilespmem:$0x2840] =	vst v1  }
0x34: {  	[tilespmem:$0x2850] =	vst v1  }
0x35: {  	[tilespmem:$0x2860] =	vst v1  }
0x36: {  	[tilespmem:$0x2870] =	vst v1  }
0x37: {  	s20 =	simm.s32 $0x0;
	[bflag:$0x0] =	sbarrier.arrive $0xFFFF  }
0x38: {  	[spmem:s2] =	stream.indirect.scatter.add.f32 [tilespmem:s13], [sflag:$0x1], $0x1, s20, s14, $0xb8;
	[tilespmem:$0x2B00] =	vst v63  }
0x39: {  	_ =	swait.ge [sflag:s12], $0x80  }
0x3a: {  	s20 =	simm.s32 $0x200;
	[sflag:s12] =	ssyncset.done $0x0  }
.LBB2_2:
0x3b: {  	s21 =	sshra.s32 s20, $0x2;
	[sflag:s12] =	ssyncadd.s32 $0xFFFFFF80;
	p0 =	sne.s32 s20, $0x9E00  }
0x3c: {  	[spmem:s2] =	stream.indirect.scatter.add.f32 [tilespmem:s13], [sflag:$0x1], $0x1, s21, s14, $0xb8;
	[tilespmem:$0x2B00] =	vst v63  }
.Ltmp0:
0x3d: {  	_ = 	snop;
	(pc) =	sbr.rel @p0 .LBB2_2-.Ltmp0, $4  }
0x3e: {  	_ = 	snop  }
0x3f: {  	s20 =	sadd.s32 $0x200, s20  }
0x40: {  	_ =	swait.ge [sflag:s12], $0x80  }
0x41: {  	[sflag:s12] =	ssyncset.done $0x0  }
0x42: {  	s19 =	sadd.s32 $0x1, s19  }
0x43: {  	[sflag:s12] =	ssyncadd.s32 $0xFFFFFF80;
	p0 =	sne.s32 s19, s7  }
.Ltmp1:
0x44: {  	[bflag:$0x0] =	sbarrier.arrive $0xFFFF;
	(pc) =	sbr.rel @p0 .LBB2_1-.Ltmp1, $4  }
0x45: {  	[hbm:s6@s17], [sflag:s15] =	dma.strided [spmem:s16@s18], $0x50, s12, $0x10   }
0x46: {  	_ =	swait.ge [sflag:s12], $0x50  }
0x47: {  	[sflag:s12] =	ssyncset.done $0x0  }
0x48: {  	[sflag:s12] =	ssyncadd.s32 $0xFFFFFFB0  }
0x49: {  	_ =	sfence.sel $0x180000  }
0x4a: {  	[bflag:$0x0] =	sbarrier.arrive $0xFFFF  }
0x4b: {  	p0 =	sne.s32 s1, $0x0;
	_ =	strace $0x90000047  }
0x4c: {  	s0 =	sadd.s32 @!p0 $0x100000, s0;
	[bflag:$0x2] =	sbarrier.arrive $0xFFFF  }
0x4d: {  	[sflag:s0] =	ssyncadd.tile.s32 @!p0 $0x1;
	_ =	shalt  }
.Lfunc_end2:
_tile_overlayer_lowered:
.L_overlay_start_2:
0x4e: {  	(tag) =	ssettag $0x2  }
0x4f: {  	s0 =	rddreg [dreg:$0x0];
	s2 =	stileid.u32  }
0x50: {  	s1 =	rddreg [dreg:$0x1];
	p0 =	sne.s32 s2, $0x0  }
0x51: {  	s3 =	rddreg [dreg:$0x2];
	[bflag:$0x3] =	sbarrier.arrive $0xFFFF;
	s2 =	simm.s32 @!p0 $0x1C01  }
0x52: {  	[timem:s3], [sflag:s2] =	dma.local @!p0 [hbm:s0], s1  }
0x53: {  	s0 =	simm.s32 @!p0 $0x1  }
0x54: {  	_ =	swait.ge @!p0 [sflag:s0], s1  }
0x55: {  	s1 =	ssub.s32 @!p0 $0x0, s1;
	[sflag:s0] =	ssyncset.done @!p0 $0x0  }
0x56: {  	[sflag:s0] =	ssyncadd.s32 @!p0 s1  }
0x57: {  	[bflag:$0x3] =	sbarrier.arrive $0xFFFF  }
0x58: {  	_ =	shalt  }

</sc_bundles>
